<compile_context>
chip_gen: v7x
topology: tpu7x:2x2x1
jax: 0.10.2.dev20260603
libtpu: 0.0.44.dev20260713+nightly
codegen_flags: <defaults>
</compile_context>

<pallas_src>
import functools

import jax
import jax.numpy as jnp
from jax import lax
from jax.experimental import pallas as pl
from jax.experimental.pallas import tpu as pltpu
from jax.experimental.pallas import tpu_sc as plsc

VOCAB_N = 100000
CTX_N = 20
EMB_N = 64
HID_N = 512
BATCH_N = 1024

_NC = 2
_NS = 16
_NW = _NC * _NS
_TOT = BATCH_N * CTX_N
_CHUNK = 128
_NROWS = _TOT // _CHUNK
_CPW = _NROWS // _NW


@functools.cache
def _sc_gather_fn():
    mesh = plsc.VectorSubcoreMesh(core_axis_name="c", subcore_axis_name="s")

    @functools.partial(
        pl.kernel,
        mesh=mesh,
        out_type=jax.ShapeDtypeStruct((_NW, _CPW, _CHUNK, EMB_N), jnp.float32),
        scratch_types=[
            pltpu.VMEM((_CPW, _CHUNK), jnp.int32),
            pltpu.VMEM((_CPW, _CHUNK, EMB_N), jnp.float32),
            pltpu.SemaphoreType.DMA,
        ],
        compiler_params=pltpu.CompilerParams(use_tc_tiling_on_sc=False),
    )
    def _sc_gather(table_hbm, idx_hbm, out_hbm, idx_v, rows_v, sem):
        wid = lax.axis_index("s") * _NC + lax.axis_index("c")
        pltpu.sync_copy(idx_hbm.at[wid], idx_v)
        copies = [
            pltpu.async_copy(table_hbm.at[idx_v.at[i]], rows_v.at[i], sem)
            for i in range(_CPW)
        ]
        for c in copies:
            c.wait()
        pltpu.sync_copy(rows_v, out_hbm.at[wid])

    return _sc_gather


_BN = 2048
_NBLK = 48
_TAIL0 = _NBLK * _BN
_NBUF = 3
_RIN = 4
_ROUT = 8


def _proj_body(flat_ref, w1_ref, b1_ref, w2_hbm, b2_hbm,
               out_hbm, h_ref, w2_buf, b2_buf, out_buf, in_sems, out_sems):
    def in_copies(j, s):
        col = j * _BN
        cps = [
            pltpu.make_async_copy(
                w2_hbm.at[pl.ds(r * 128, 128), pl.ds(col, _BN)],
                w2_buf.at[s, pl.ds(r * 128, 128), :],
                in_sems.at[s])
            for r in range(_RIN)
        ]
        cps.append(pltpu.make_async_copy(
            b2_hbm.at[:, pl.ds(col, _BN)], b2_buf.at[s], in_sems.at[s]))
        return cps

    def out_copies(j, s):
        col = j * _BN
        return [
            pltpu.make_async_copy(
                out_buf.at[s, pl.ds(r * 128, 128), :],
                out_hbm.at[pl.ds(r * 128, 128), pl.ds(col, _BN)],
                out_sems.at[s])
            for r in range(_ROUT)
        ]

    def start_next(j, s):
        for r, c in enumerate(in_copies(j, s)):
            c.start(priority=r % 2)

    start_next(0, 0)
    start_next(1, 1)

    h = jnp.dot(flat_ref[...].astype(jnp.bfloat16),
                w1_ref[...].astype(jnp.bfloat16),
                preferred_element_type=jnp.float32)
    h_ref[...] = jnp.maximum(h + b1_ref[...], 0.0).astype(jnp.bfloat16)

    def step(j, carry):
        s = lax.rem(j, _NBUF)

        @pl.when(j + 2 < _NBLK)
        def _():
            start_next(j + 2, lax.rem(j + 2, _NBUF))

        for c in in_copies(j, s):
            c.wait()

        @pl.when(j >= _NBUF)
        def _():
            for c in out_copies(j, s):
                c.wait()

        acc = jnp.dot(h_ref[...], w2_buf[s].astype(jnp.bfloat16),
                      preferred_element_type=jnp.float32)
        out_buf[s] = acc + b2_buf[s]
        for r, c in enumerate(out_copies(j, s)):
            c.start(priority=r % 2)
        return carry

    lax.fori_loop(0, _NBLK, step, 0)

    for jj in range(_NBLK - _NBUF, _NBLK):
        for c in out_copies(jj, jj % _NBUF):
            c.wait()


_proj = pl.pallas_call(
    _proj_body,
    in_specs=[
        pl.BlockSpec(memory_space=pltpu.VMEM),
        pl.BlockSpec(memory_space=pltpu.VMEM),
        pl.BlockSpec(memory_space=pltpu.VMEM),
        pl.BlockSpec(memory_space=pl.ANY),
        pl.BlockSpec(memory_space=pl.ANY),
    ],
    out_specs=[
        pl.BlockSpec(memory_space=pl.ANY),
        pl.BlockSpec(memory_space=pltpu.VMEM),
    ],
    out_shape=[
        jax.ShapeDtypeStruct((BATCH_N, VOCAB_N), jnp.float32),
        jax.ShapeDtypeStruct((BATCH_N, HID_N), jnp.bfloat16),
    ],
    scratch_shapes=[
        pltpu.VMEM((_NBUF, HID_N, _BN), jnp.float32),
        pltpu.VMEM((_NBUF, 1, _BN), jnp.float32),
        pltpu.VMEM((_NBUF, BATCH_N, _BN), jnp.float32),
        pltpu.SemaphoreType.DMA((_NBUF,)),
        pltpu.SemaphoreType.DMA((_NBUF,)),
    ],
    compiler_params=pltpu.CompilerParams(vmem_limit_bytes=60 * 1024 * 1024),
)


def _tail_body(prev_ref, h_ref, w2_ref, b2_ref, out_ref):
    del prev_ref
    out_ref[...] = (
        jnp.dot(h_ref[...], w2_ref[...].astype(jnp.bfloat16),
                preferred_element_type=jnp.float32)
        + b2_ref[...]
    )


_tail = pl.pallas_call(
    _tail_body,
    grid=(1,),
    in_specs=[
        pl.BlockSpec(memory_space=pl.ANY),
        pl.BlockSpec((BATCH_N, HID_N), lambda i: (0, 0)),
        pl.BlockSpec((HID_N, _BN), lambda i: (0, _NBLK)),
        pl.BlockSpec((1, _BN), lambda i: (0, _NBLK)),
    ],
    out_specs=pl.BlockSpec((BATCH_N, _BN), lambda i: (0, _NBLK)),
    out_shape=jax.ShapeDtypeStruct((BATCH_N, VOCAB_N), jnp.float32),
    input_output_aliases={0: 0},
)


def kernel(x, emb_table, W1, b1, W2, b2):
    idx = x.astype(jnp.int32).reshape(_NW, _CPW, _CHUNK)
    flat4 = _sc_gather_fn()(emb_table, idx)
    flat = flat4.reshape(BATCH_N, CTX_N * EMB_N)
    out_main, h = _proj(flat, W1, b1.reshape(1, HID_N),
                        W2, b2.reshape(1, VOCAB_N))
    return _tail(out_main, h, W2, b2.reshape(1, VOCAB_N))

# --- scband reference (transcript-rebuilt; emitter-appended) ---
"""Pipeline reference for scband-ngram-text-gen-70403103916071 (READ-ONLY COPY).

The authoritative reference and input builder live on the scoring server;
editing this copy changes nothing except your own understanding.
"""

import jax, jax.numpy as jnp
import numpy as np

VOCAB = 100000
CTX = 20
EMB = 64
HID = 512
BATCH = 1024

def setup_inputs(seed: int = 0) -> dict:
    key = jax.random.key(seed)
    k0, k1, k2, k3 = jax.random.split(key, 4)
    x = jax.random.randint(k0, (BATCH, CTX), 0, VOCAB, dtype=jnp.int64 if jax.config.jax_enable_x64 else jnp.int32)
    emb_table = jax.random.normal(k1, (VOCAB, EMB), dtype=jnp.float32) * 0.02
    W1 = jax.random.normal(k2, (CTX * EMB, HID), dtype=jnp.float32) * 0.02
    b1 = jnp.zeros((HID,), dtype=jnp.float32)
    W2 = jax.random.normal(k3, (HID, VOCAB), dtype=jnp.float32) * 0.02
    b2 = jnp.zeros((VOCAB,), dtype=jnp.float32)
    return {"x": x, "emb_table": emb_table, "W1": W1, "b1": b1, "W2": W2, "b2": b2}

def reference(x, emb_table, W1, b1, W2, b2):
    # embedding lookup (SparseCore gather)
    emb = jnp.take(emb_table, x, axis=0)              # [B, CTX, EMB]
    flat = emb.reshape(-1, emb.shape[1] * emb.shape[2])  # [B, CTX*EMB]
    h = flat @ W1 + b1                                 # [B, HID]
    h = jax.nn.relu(h)
    out = h @ W2 + b2                                  # [B, VOCAB]
    return out

if __name__ == "__main__":
    import jax
    _d = setup_inputs()
    print(jax.jit(kernel)(*tuple(_d.values())))

</pallas_src>

<mosaic_0001>
#map = affine_map<(d0, d1) -> (0, 0)>
#map1 = affine_map<(d0, d1) -> (0, 0, 0)>
#map2 = affine_map<(d0, d1) -> (0, 0, 0, 0)>
module attributes {stable_mosaic.version = 14 : i64} {
  func.func @_sc_gather(%arg0: i32, %arg1: i32, %arg2: memref<100000x64xf32, #tpu.memory_space<hbm>>, %arg3: memref<32x5x128xi32, #tpu.memory_space<hbm>>, %arg4: memref<32x5x128x64xf32, #tpu.memory_space<hbm>>, %arg5: memref<5x128xi32, #tpu.memory_space<vmem>>, %arg6: memref<5x128x64xf32, #tpu.memory_space<vmem>>, %arg7: memref<!tpu.dma_semaphore, #tpu.memory_space<semaphore_mem>>) attributes {dimension_semantics = [#tpu.dimension_semantics<core_parallel>, #tpu.dimension_semantics<subcore_parallel>], iteration_bounds = array<i64: 2, 16>, scalar_prefetch = 0 : i64, scratch_operands = 3 : i64, tpu.core_type = #tpu.core_type<sc_vector_subcore>, window_params = [{transform_indices = #map}, {transform_indices = #map1}, {transform_indices = #map2}]} {
    %mul3A = arith.constant 2 : i32
    %mul3A_0 = arith.muli %arg1, %mul3A : i32
    %add3A = arith.addi %mul3A_0, %arg0 : i32
    "tpu.region"() ({
      %run_scoped3A = tpu.sem_alloc : memref<!tpu.dma_semaphore, #tpu.memory_space<semaphore_mem>>
      %dma_start3A_119 = arith.constant 0 : i32
      %dma_start3A_120 = arith.constant 0 : i32
      %dma_start3A_121 = tpu.memref_slice %arg3[%add3A, %dma_start3A_119, %dma_start3A_120] : memref<32x5x128xi32, #tpu.memory_space<hbm>> -> memref<1x5x128xi32, #tpu.memory_space<hbm>>
      %dma_start3A_122 = tpu.memref_squeeze %dma_start3A_121 : memref<1x5x128xi32, #tpu.memory_space<hbm>> -> memref<5x128xi32, #tpu.memory_space<hbm>>
      %dma_start3A_123 = arith.constant 0 : i32
      %dma_start3A_124 = arith.constant 0 : i32
      %dma_start3A_125 = tpu.memref_slice %arg3[%add3A, %dma_start3A_123, %dma_start3A_124] : memref<32x5x128xi32, #tpu.memory_space<hbm>> -> memref<1x5x128xi32, #tpu.memory_space<hbm>>
      %dma_start3A_126 = tpu.memref_squeeze %dma_start3A_125 : memref<1x5x128xi32, #tpu.memory_space<hbm>> -> memref<5x128xi32, #tpu.memory_space<hbm>>
      tpu.enqueue_dma source(%dma_start3A_126 : memref<5x128xi32, #tpu.memory_space<hbm>>) target(%arg5 : memref<5x128xi32, #tpu.memory_space<vmem>>) target_semaphore(%run_scoped3A : memref<!tpu.dma_semaphore, #tpu.memory_space<semaphore_mem>>)
      %dma_wait3A_127 = arith.constant 0 : i32
      %dma_wait3A_128 = arith.constant 0 : i32
      %dma_wait3A_129 = tpu.memref_slice %arg3[%add3A, %dma_wait3A_127, %dma_wait3A_128] : memref<32x5x128xi32, #tpu.memory_space<hbm>> -> memref<1x5x128xi32, #tpu.memory_space<hbm>>
      %dma_wait3A_130 = tpu.memref_squeeze %dma_wait3A_129 : memref<1x5x128xi32, #tpu.memory_space<hbm>> -> memref<5x128xi32, #tpu.memory_space<hbm>>
      %dma_wait3A_131 = arith.constant 0 : i32
      %dma_wait3A_132 = arith.constant 0 : i32
      %dma_wait3A_133 = tpu.memref_slice %arg3[%add3A, %dma_wait3A_131, %dma_wait3A_132] : memref<32x5x128xi32, #tpu.memory_space<hbm>> -> memref<1x5x128xi32, #tpu.memory_space<hbm>>
      %dma_wait3A_134 = tpu.memref_squeeze %dma_wait3A_133 : memref<1x5x128xi32, #tpu.memory_space<hbm>> -> memref<5x128xi32, #tpu.memory_space<hbm>>
      tpu.wait_dma2 semaphore(%run_scoped3A : memref<!tpu.dma_semaphore, #tpu.memory_space<semaphore_mem>>) src(%dma_wait3A_134 : memref<5x128xi32, #tpu.memory_space<hbm>>) dst(%arg5 : memref<5x128xi32, #tpu.memory_space<vmem>>)
      tpu.yield
    }) : () -> ()
    %dma_start3A = arith.constant 0 : i32
    %dma_start3A_1 = arith.constant 0 : i32
    %dma_start3A_2 = arith.constant 0 : i32
    %dma_start3A_3 = arith.constant 0 : i32
    %dma_start3A_4 = tpu.memref_slice %arg6[%dma_start3A_1, %dma_start3A_2, %dma_start3A_3] : memref<5x128x64xf32, #tpu.memory_space<vmem>> -> memref<1x128x64xf32, #tpu.memory_space<vmem>>
    %dma_start3A_5 = tpu.memref_squeeze %dma_start3A_4 : memref<1x128x64xf32, #tpu.memory_space<vmem>> -> memref<128x64xf32, #tpu.memory_space<vmem>>
    %dma_start3A_6 = arith.constant 0 : i32
    %dma_start3A_7 = tpu.memref_slice %arg5[%dma_start3A, %dma_start3A_6] : memref<5x128xi32, #tpu.memory_space<vmem>> -> memref<1x128xi32, #tpu.memory_space<vmem>>
    %dma_start3A_8 = tpu.memref_squeeze %dma_start3A_7 : memref<1x128xi32, #tpu.memory_space<vmem>> -> memref<128xi32, #tpu.memory_space<vmem>>
    %dma_start3A_9 = arith.constant 0 : i32
    %dma_start3A_10 = arith.constant 0 : i32
    %dma_start3A_11 = tpu.memref_slice %arg2[%dma_start3A_9, %dma_start3A_10] : memref<100000x64xf32, #tpu.memory_space<hbm>> -> memref<100000x64xf32, #tpu.memory_space<hbm>>
    tpu.enqueue_indirect_dma source(%dma_start3A_11 : memref<100000x64xf32, #tpu.memory_space<hbm>>) target(%dma_start3A_5 : memref<128x64xf32, #tpu.memory_space<vmem>>) offsets(%dma_start3A_8 : memref<128xi32, #tpu.memory_space<vmem>>) semaphore(%arg7 : memref<!tpu.dma_semaphore, #tpu.memory_space<semaphore_mem>>)
    %dma_start3A_12 = arith.constant 1 : i32
    %dma_start3A_13 = arith.constant 1 : i32
    %dma_start3A_14 = arith.constant 0 : i32
    %dma_start3A_15 = arith.constant 0 : i32
    %dma_start3A_16 = tpu.memref_slice %arg6[%dma_start3A_13, %dma_start3A_14, %dma_start3A_15] : memref<5x128x64xf32, #tpu.memory_space<vmem>> -> memref<1x128x64xf32, #tpu.memory_space<vmem>>
    %dma_start3A_17 = tpu.memref_squeeze %dma_start3A_16 : memref<1x128x64xf32, #tpu.memory_space<vmem>> -> memref<128x64xf32, #tpu.memory_space<vmem>>
    %dma_start3A_18 = arith.constant 0 : i32
    %dma_start3A_19 = tpu.memref_slice %arg5[%dma_start3A_12, %dma_start3A_18] : memref<5x128xi32, #tpu.memory_space<vmem>> -> memref<1x128xi32, #tpu.memory_space<vmem>>
    %dma_start3A_20 = tpu.memref_squeeze %dma_start3A_19 : memref<1x128xi32, #tpu.memory_space<vmem>> -> memref<128xi32, #tpu.memory_space<vmem>>
    %dma_start3A_21 = arith.constant 0 : i32
    %dma_start3A_22 = arith.constant 0 : i32
    %dma_start3A_23 = tpu.memref_slice %arg2[%dma_start3A_21, %dma_start3A_22] : memref<100000x64xf32, #tpu.memory_space<hbm>> -> memref<100000x64xf32, #tpu.memory_space<hbm>>
    tpu.enqueue_indirect_dma source(%dma_start3A_23 : memref<100000x64xf32, #tpu.memory_space<hbm>>) target(%dma_start3A_17 : memref<128x64xf32, #tpu.memory_space<vmem>>) offsets(%dma_start3A_20 : memref<128xi32, #tpu.memory_space<vmem>>) semaphore(%arg7 : memref<!tpu.dma_semaphore, #tpu.memory_space<semaphore_mem>>)
    %dma_start3A_24 = arith.constant 2 : i32
    %dma_start3A_25 = arith.constant 2 : i32
    %dma_start3A_26 = arith.constant 0 : i32
    %dma_start3A_27 = arith.constant 0 : i32
    %dma_start3A_28 = tpu.memref_slice %arg6[%dma_start3A_25, %dma_start3A_26, %dma_start3A_27] : memref<5x128x64xf32, #tpu.memory_space<vmem>> -> memref<1x128x64xf32, #tpu.memory_space<vmem>>
    %dma_start3A_29 = tpu.memref_squeeze %dma_start3A_28 : memref<1x128x64xf32, #tpu.memory_space<vmem>> -> memref<128x64xf32, #tpu.memory_space<vmem>>
    %dma_start3A_30 = arith.constant 0 : i32
    %dma_start3A_31 = tpu.memref_slice %arg5[%dma_start3A_24, %dma_start3A_30] : memref<5x128xi32, #tpu.memory_space<vmem>> -> memref<1x128xi32, #tpu.memory_space<vmem>>
    %dma_start3A_32 = tpu.memref_squeeze %dma_start3A_31 : memref<1x128xi32, #tpu.memory_space<vmem>> -> memref<128xi32, #tpu.memory_space<vmem>>
    %dma_start3A_33 = arith.constant 0 : i32
    %dma_start3A_34 = arith.constant 0 : i32
    %dma_start3A_35 = tpu.memref_slice %arg2[%dma_start3A_33, %dma_start3A_34] : memref<100000x64xf32, #tpu.memory_space<hbm>> -> memref<100000x64xf32, #tpu.memory_space<hbm>>
    tpu.enqueue_indirect_dma source(%dma_start3A_35 : memref<100000x64xf32, #tpu.memory_space<hbm>>) target(%dma_start3A_29 : memref<128x64xf32, #tpu.memory_space<vmem>>) offsets(%dma_start3A_32 : memref<128xi32, #tpu.memory_space<vmem>>) semaphore(%arg7 : memref<!tpu.dma_semaphore, #tpu.memory_space<semaphore_mem>>)
    %dma_start3A_36 = arith.constant 3 : i32
    %dma_start3A_37 = arith.constant 3 : i32
    %dma_start3A_38 = arith.constant 0 : i32
    %dma_start3A_39 = arith.constant 0 : i32
    %dma_start3A_40 = tpu.memref_slice %arg6[%dma_start3A_37, %dma_start3A_38, %dma_start3A_39] : memref<5x128x64xf32, #tpu.memory_space<vmem>> -> memref<1x128x64xf32, #tpu.memory_space<vmem>>
    %dma_start3A_41 = tpu.memref_squeeze %dma_start3A_40 : memref<1x128x64xf32, #tpu.memory_space<vmem>> -> memref<128x64xf32, #tpu.memory_space<vmem>>
    %dma_start3A_42 = arith.constant 0 : i32
    %dma_start3A_43 = tpu.memref_slice %arg5[%dma_start3A_36, %dma_start3A_42] : memref<5x128xi32, #tpu.memory_space<vmem>> -> memref<1x128xi32, #tpu.memory_space<vmem>>
    %dma_start3A_44 = tpu.memref_squeeze %dma_start3A_43 : memref<1x128xi32, #tpu.memory_space<vmem>> -> memref<128xi32, #tpu.memory_space<vmem>>
    %dma_start3A_45 = arith.constant 0 : i32
    %dma_start3A_46 = arith.constant 0 : i32
    %dma_start3A_47 = tpu.memref_slice %arg2[%dma_start3A_45, %dma_start3A_46] : memref<100000x64xf32, #tpu.memory_space<hbm>> -> memref<100000x64xf32, #tpu.memory_space<hbm>>
    tpu.enqueue_indirect_dma source(%dma_start3A_47 : memref<100000x64xf32, #tpu.memory_space<hbm>>) target(%dma_start3A_41 : memref<128x64xf32, #tpu.memory_space<vmem>>) offsets(%dma_start3A_44 : memref<128xi32, #tpu.memory_space<vmem>>) semaphore(%arg7 : memref<!tpu.dma_semaphore, #tpu.memory_space<semaphore_mem>>)
    %dma_start3A_48 = arith.constant 4 : i32
    %dma_start3A_49 = arith.constant 4 : i32
    %dma_start3A_50 = arith.constant 0 : i32
    %dma_start3A_51 = arith.constant 0 : i32
    %dma_start3A_52 = tpu.memref_slice %arg6[%dma_start3A_49, %dma_start3A_50, %dma_start3A_51] : memref<5x128x64xf32, #tpu.memory_space<vmem>> -> memref<1x128x64xf32, #tpu.memory_space<vmem>>
    %dma_start3A_53 = tpu.memref_squeeze %dma_start3A_52 : memref<1x128x64xf32, #tpu.memory_space<vmem>> -> memref<128x64xf32, #tpu.memory_space<vmem>>
    %dma_start3A_54 = arith.constant 0 : i32
    %dma_start3A_55 = tpu.memref_slice %arg5[%dma_start3A_48, %dma_start3A_54] : memref<5x128xi32, #tpu.memory_space<vmem>> -> memref<1x128xi32, #tpu.memory_space<vmem>>
    %dma_start3A_56 = tpu.memref_squeeze %dma_start3A_55 : memref<1x128xi32, #tpu.memory_space<vmem>> -> memref<128xi32, #tpu.memory_space<vmem>>
    %dma_start3A_57 = arith.constant 0 : i32
    %dma_start3A_58 = arith.constant 0 : i32
    %dma_start3A_59 = tpu.memref_slice %arg2[%dma_start3A_57, %dma_start3A_58] : memref<100000x64xf32, #tpu.memory_space<hbm>> -> memref<100000x64xf32, #tpu.memory_space<hbm>>
    tpu.enqueue_indirect_dma source(%dma_start3A_59 : memref<100000x64xf32, #tpu.memory_space<hbm>>) target(%dma_start3A_53 : memref<128x64xf32, #tpu.memory_space<vmem>>) offsets(%dma_start3A_56 : memref<128xi32, #tpu.memory_space<vmem>>) semaphore(%arg7 : memref<!tpu.dma_semaphore, #tpu.memory_space<semaphore_mem>>)
    %dma_wait3A = arith.constant 0 : i32
    %dma_wait3A_60 = arith.constant 0 : i32
    %dma_wait3A_61 = arith.constant 0 : i32
    %dma_wait3A_62 = arith.constant 0 : i32
    %dma_wait3A_63 = tpu.memref_slice %arg6[%dma_wait3A_60, %dma_wait3A_61, %dma_wait3A_62] : memref<5x128x64xf32, #tpu.memory_space<vmem>> -> memref<1x128x64xf32, #tpu.memory_space<vmem>>
    %dma_wait3A_64 = tpu.memref_squeeze %dma_wait3A_63 : memref<1x128x64xf32, #tpu.memory_space<vmem>> -> memref<128x64xf32, #tpu.memory_space<vmem>>
    %dma_wait3A_65 = arith.constant 0 : i32
    %dma_wait3A_66 = tpu.memref_slice %arg5[%dma_wait3A, %dma_wait3A_65] : memref<5x128xi32, #tpu.memory_space<vmem>> -> memref<1x128xi32, #tpu.memory_space<vmem>>
    %dma_wait3A_67 = tpu.memref_squeeze %dma_wait3A_66 : memref<1x128xi32, #tpu.memory_space<vmem>> -> memref<128xi32, #tpu.memory_space<vmem>>
    %dma_wait3A_68 = arith.constant 0 : i32
    %dma_wait3A_69 = arith.constant 0 : i32
    %dma_wait3A_70 = tpu.memref_slice %arg2[%dma_wait3A_68, %dma_wait3A_69] : memref<100000x64xf32, #tpu.memory_space<hbm>> -> memref<100000x64xf32, #tpu.memory_space<hbm>>
    tpu.wait_indirect_dma semaphore(%arg7 : memref<!tpu.dma_semaphore, #tpu.memory_space<semaphore_mem>>) src(%dma_wait3A_70 : memref<100000x64xf32, #tpu.memory_space<hbm>>) dst(%dma_wait3A_64 : memref<128x64xf32, #tpu.memory_space<vmem>>)
    %dma_wait3A_71 = arith.constant 1 : i32
    %dma_wait3A_72 = arith.constant 1 : i32
    %dma_wait3A_73 = arith.constant 0 : i32
    %dma_wait3A_74 = arith.constant 0 : i32
    %dma_wait3A_75 = tpu.memref_slice %arg6[%dma_wait3A_72, %dma_wait3A_73, %dma_wait3A_74] : memref<5x128x64xf32, #tpu.memory_space<vmem>> -> memref<1x128x64xf32, #tpu.memory_space<vmem>>
    %dma_wait3A_76 = tpu.memref_squeeze %dma_wait3A_75 : memref<1x128x64xf32, #tpu.memory_space<vmem>> -> memref<128x64xf32, #tpu.memory_space<vmem>>
    %dma_wait3A_77 = arith.constant 0 : i32
    %dma_wait3A_78 = tpu.memref_slice %arg5[%dma_wait3A_71, %dma_wait3A_77] : memref<5x128xi32, #tpu.memory_space<vmem>> -> memref<1x128xi32, #tpu.memory_space<vmem>>
    %dma_wait3A_79 = tpu.memref_squeeze %dma_wait3A_78 : memref<1x128xi32, #tpu.memory_space<vmem>> -> memref<128xi32, #tpu.memory_space<vmem>>
    %dma_wait3A_80 = arith.constant 0 : i32
    %dma_wait3A_81 = arith.constant 0 : i32
    %dma_wait3A_82 = tpu.memref_slice %arg2[%dma_wait3A_80, %dma_wait3A_81] : memref<100000x64xf32, #tpu.memory_space<hbm>> -> memref<100000x64xf32, #tpu.memory_space<hbm>>
    tpu.wait_indirect_dma semaphore(%arg7 : memref<!tpu.dma_semaphore, #tpu.memory_space<semaphore_mem>>) src(%dma_wait3A_82 : memref<100000x64xf32, #tpu.memory_space<hbm>>) dst(%dma_wait3A_76 : memref<128x64xf32, #tpu.memory_space<vmem>>)
    %dma_wait3A_83 = arith.constant 2 : i32
    %dma_wait3A_84 = arith.constant 2 : i32
    %dma_wait3A_85 = arith.constant 0 : i32
    %dma_wait3A_86 = arith.constant 0 : i32
    %dma_wait3A_87 = tpu.memref_slice %arg6[%dma_wait3A_84, %dma_wait3A_85, %dma_wait3A_86] : memref<5x128x64xf32, #tpu.memory_space<vmem>> -> memref<1x128x64xf32, #tpu.memory_space<vmem>>
    %dma_wait3A_88 = tpu.memref_squeeze %dma_wait3A_87 : memref<1x128x64xf32, #tpu.memory_space<vmem>> -> memref<128x64xf32, #tpu.memory_space<vmem>>
    %dma_wait3A_89 = arith.constant 0 : i32
    %dma_wait3A_90 = tpu.memref_slice %arg5[%dma_wait3A_83, %dma_wait3A_89] : memref<5x128xi32, #tpu.memory_space<vmem>> -> memref<1x128xi32, #tpu.memory_space<vmem>>
    %dma_wait3A_91 = tpu.memref_squeeze %dma_wait3A_90 : memref<1x128xi32, #tpu.memory_space<vmem>> -> memref<128xi32, #tpu.memory_space<vmem>>
    %dma_wait3A_92 = arith.constant 0 : i32
    %dma_wait3A_93 = arith.constant 0 : i32
    %dma_wait3A_94 = tpu.memref_slice %arg2[%dma_wait3A_92, %dma_wait3A_93] : memref<100000x64xf32, #tpu.memory_space<hbm>> -> memref<100000x64xf32, #tpu.memory_space<hbm>>
    tpu.wait_indirect_dma semaphore(%arg7 : memref<!tpu.dma_semaphore, #tpu.memory_space<semaphore_mem>>) src(%dma_wait3A_94 : memref<100000x64xf32, #tpu.memory_space<hbm>>) dst(%dma_wait3A_88 : memref<128x64xf32, #tpu.memory_space<vmem>>)
    %dma_wait3A_95 = arith.constant 3 : i32
    %dma_wait3A_96 = arith.constant 3 : i32
    %dma_wait3A_97 = arith.constant 0 : i32
    %dma_wait3A_98 = arith.constant 0 : i32
    %dma_wait3A_99 = tpu.memref_slice %arg6[%dma_wait3A_96, %dma_wait3A_97, %dma_wait3A_98] : memref<5x128x64xf32, #tpu.memory_space<vmem>> -> memref<1x128x64xf32, #tpu.memory_space<vmem>>
    %dma_wait3A_100 = tpu.memref_squeeze %dma_wait3A_99 : memref<1x128x64xf32, #tpu.memory_space<vmem>> -> memref<128x64xf32, #tpu.memory_space<vmem>>
    %dma_wait3A_101 = arith.constant 0 : i32
    %dma_wait3A_102 = tpu.memref_slice %arg5[%dma_wait3A_95, %dma_wait3A_101] : memref<5x128xi32, #tpu.memory_space<vmem>> -> memref<1x128xi32, #tpu.memory_space<vmem>>
    %dma_wait3A_103 = tpu.memref_squeeze %dma_wait3A_102 : memref<1x128xi32, #tpu.memory_space<vmem>> -> memref<128xi32, #tpu.memory_space<vmem>>
    %dma_wait3A_104 = arith.constant 0 : i32
    %dma_wait3A_105 = arith.constant 0 : i32
    %dma_wait3A_106 = tpu.memref_slice %arg2[%dma_wait3A_104, %dma_wait3A_105] : memref<100000x64xf32, #tpu.memory_space<hbm>> -> memref<100000x64xf32, #tpu.memory_space<hbm>>
    tpu.wait_indirect_dma semaphore(%arg7 : memref<!tpu.dma_semaphore, #tpu.memory_space<semaphore_mem>>) src(%dma_wait3A_106 : memref<100000x64xf32, #tpu.memory_space<hbm>>) dst(%dma_wait3A_100 : memref<128x64xf32, #tpu.memory_space<vmem>>)
    %dma_wait3A_107 = arith.constant 4 : i32
    %dma_wait3A_108 = arith.constant 4 : i32
    %dma_wait3A_109 = arith.constant 0 : i32
    %dma_wait3A_110 = arith.constant 0 : i32
    %dma_wait3A_111 = tpu.memref_slice %arg6[%dma_wait3A_108, %dma_wait3A_109, %dma_wait3A_110] : memref<5x128x64xf32, #tpu.memory_space<vmem>> -> memref<1x128x64xf32, #tpu.memory_space<vmem>>
    %dma_wait3A_112 = tpu.memref_squeeze %dma_wait3A_111 : memref<1x128x64xf32, #tpu.memory_space<vmem>> -> memref<128x64xf32, #tpu.memory_space<vmem>>
    %dma_wait3A_113 = arith.constant 0 : i32
    %dma_wait3A_114 = tpu.memref_slice %arg5[%dma_wait3A_107, %dma_wait3A_113] : memref<5x128xi32, #tpu.memory_space<vmem>> -> memref<1x128xi32, #tpu.memory_space<vmem>>
    %dma_wait3A_115 = tpu.memref_squeeze %dma_wait3A_114 : memref<1x128xi32, #tpu.memory_space<vmem>> -> memref<128xi32, #tpu.memory_space<vmem>>
    %dma_wait3A_116 = arith.constant 0 : i32
    %dma_wait3A_117 = arith.constant 0 : i32
    %dma_wait3A_118 = tpu.memref_slice %arg2[%dma_wait3A_116, %dma_wait3A_117] : memref<100000x64xf32, #tpu.memory_space<hbm>> -> memref<100000x64xf32, #tpu.memory_space<hbm>>
    tpu.wait_indirect_dma semaphore(%arg7 : memref<!tpu.dma_semaphore, #tpu.memory_space<semaphore_mem>>) src(%dma_wait3A_118 : memref<100000x64xf32, #tpu.memory_space<hbm>>) dst(%dma_wait3A_112 : memref<128x64xf32, #tpu.memory_space<vmem>>)
    "tpu.region"() ({
      %run_scoped3A = tpu.sem_alloc : memref<!tpu.dma_semaphore, #tpu.memory_space<semaphore_mem>>
      %dma_start3A_119 = arith.constant 0 : i32
      %dma_start3A_120 = arith.constant 0 : i32
      %dma_start3A_121 = arith.constant 0 : i32
      %dma_start3A_122 = tpu.memref_slice %arg4[%add3A, %dma_start3A_119, %dma_start3A_120, %dma_start3A_121] : memref<32x5x128x64xf32, #tpu.memory_space<hbm>> -> memref<1x5x128x64xf32, #tpu.memory_space<hbm>>
      %dma_start3A_123 = tpu.memref_squeeze %dma_start3A_122 : memref<1x5x128x64xf32, #tpu.memory_space<hbm>> -> memref<5x128x64xf32, #tpu.memory_space<hbm>>
      %dma_start3A_124 = arith.constant 0 : i32
      %dma_start3A_125 = arith.constant 0 : i32
      %dma_start3A_126 = arith.constant 0 : i32
      %dma_start3A_127 = tpu.memref_slice %arg4[%add3A, %dma_start3A_124, %dma_start3A_125, %dma_start3A_126] : memref<32x5x128x64xf32, #tpu.memory_space<hbm>> -> memref<1x5x128x64xf32, #tpu.memory_space<hbm>>
      %dma_start3A_128 = tpu.memref_squeeze %dma_start3A_127 : memref<1x5x128x64xf32, #tpu.memory_space<hbm>> -> memref<5x128x64xf32, #tpu.memory_space<hbm>>
      tpu.enqueue_dma source(%arg6 : memref<5x128x64xf32, #tpu.memory_space<vmem>>) target(%dma_start3A_128 : memref<5x128x64xf32, #tpu.memory_space<hbm>>) target_semaphore(%run_scoped3A : memref<!tpu.dma_semaphore, #tpu.memory_space<semaphore_mem>>)
      %dma_wait3A_129 = arith.constant 0 : i32
      %dma_wait3A_130 = arith.constant 0 : i32
      %dma_wait3A_131 = arith.constant 0 : i32
      %dma_wait3A_132 = tpu.memref_slice %arg4[%add3A, %dma_wait3A_129, %dma_wait3A_130, %dma_wait3A_131] : memref<32x5x128x64xf32, #tpu.memory_space<hbm>> -> memref<1x5x128x64xf32, #tpu.memory_space<hbm>>
      %dma_wait3A_133 = tpu.memref_squeeze %dma_wait3A_132 : memref<1x5x128x64xf32, #tpu.memory_space<hbm>> -> memref<5x128x64xf32, #tpu.memory_space<hbm>>
      %dma_wait3A_134 = arith.constant 0 : i32
      %dma_wait3A_135 = arith.constant 0 : i32
      %dma_wait3A_136 = arith.constant 0 : i32
      %dma_wait3A_137 = tpu.memref_slice %arg4[%add3A, %dma_wait3A_134, %dma_wait3A_135, %dma_wait3A_136] : memref<32x5x128x64xf32, #tpu.memory_space<hbm>> -> memref<1x5x128x64xf32, #tpu.memory_space<hbm>>
      %dma_wait3A_138 = tpu.memref_squeeze %dma_wait3A_137 : memref<1x5x128x64xf32, #tpu.memory_space<hbm>> -> memref<5x128x64xf32, #tpu.memory_space<hbm>>
      tpu.wait_dma2 semaphore(%run_scoped3A : memref<!tpu.dma_semaphore, #tpu.memory_space<semaphore_mem>>) src(%arg6 : memref<5x128x64xf32, #tpu.memory_space<vmem>>) dst(%dma_wait3A_138 : memref<5x128x64xf32, #tpu.memory_space<hbm>>)
      tpu.yield
    }) : () -> ()
    return
  }
}

module attributes {stable_mosaic.version = 14 : i64} {
  func.func @_proj_body(%arg0: memref<1024x1280xf32, #tpu.memory_space<vmem>>, %arg1: memref<1280x512xf32, #tpu.memory_space<vmem>>, %arg2: memref<1x512xf32, #tpu.memory_space<vmem>>, %arg3: memref<512x100000xf32, #tpu.memory_space<any>>, %arg4: memref<1x100000xf32, #tpu.memory_space<any>>, %arg5: memref<1024x100000xf32, #tpu.memory_space<any>>, %arg6: memref<1024x512xbf16, #tpu.memory_space<vmem>>, %arg7: memref<3x512x2048xf32, #tpu.memory_space<vmem>>, %arg8: memref<3x1x2048xf32, #tpu.memory_space<vmem>>, %arg9: memref<3x1024x2048xf32, #tpu.memory_space<vmem>>, %arg10: memref<3x!tpu.dma_semaphore, #tpu.memory_space<semaphore_mem>>, %arg11: memref<3x!tpu.dma_semaphore, #tpu.memory_space<semaphore_mem>>) attributes {dimension_semantics = [], scalar_prefetch = 0 : i64, scratch_operands = 5 : i64, tpu.core_type = #tpu.core_type<tc>} {
    %dma_start3A = arith.constant 0 : i32
    %dma_start3A_0 = arith.constant 0 : i32
    %dma_start3A_1 = tpu.memref_slice %arg10[%dma_start3A_0] : memref<3x!tpu.dma_semaphore, #tpu.memory_space<semaphore_mem>> -> memref<1x!tpu.dma_semaphore, #tpu.memory_space<semaphore_mem>>
    %dma_start3A_2 = tpu.memref_squeeze %dma_start3A_1 : memref<1x!tpu.dma_semaphore, #tpu.memory_space<semaphore_mem>> -> memref<!tpu.dma_semaphore, #tpu.memory_space<semaphore_mem>>
    %dma_start3A_3 = arith.constant 0 : i32
    %dma_start3A_4 = arith.constant 0 : i32
    %dma_start3A_5 = tpu.memref_slice %arg7[%dma_start3A, %dma_start3A_3, %dma_start3A_4] : memref<3x512x2048xf32, #tpu.memory_space<vmem>> -> memref<1x128x2048xf32, #tpu.memory_space<vmem>>
    %dma_start3A_6 = tpu.memref_squeeze %dma_start3A_5 : memref<1x128x2048xf32, #tpu.memory_space<vmem>> -> memref<128x2048xf32, #tpu.memory_space<vmem>>
    %dma_start3A_7 = arith.constant 0 : i32
    %dma_start3A_8 = arith.constant 0 : i32
    %dma_start3A_9 = tpu.memref_slice %arg3[%dma_start3A_7, %dma_start3A_8] : memref<512x100000xf32, #tpu.memory_space<any>> -> memref<128x2048xf32, #tpu.memory_space<any>>
    tpu.enqueue_dma source(%dma_start3A_9 : memref<128x2048xf32, #tpu.memory_space<any>>) target(%dma_start3A_6 : memref<128x2048xf32, #tpu.memory_space<vmem>>) target_semaphore(%dma_start3A_2 : memref<!tpu.dma_semaphore, #tpu.memory_space<semaphore_mem>>)
    %dma_start3A_10 = arith.constant 0 : i32
    %dma_start3A_11 = arith.constant 0 : i32
    %dma_start3A_12 = tpu.memref_slice %arg10[%dma_start3A_11] : memref<3x!tpu.dma_semaphore, #tpu.memory_space<semaphore_mem>> -> memref<1x!tpu.dma_semaphore, #tpu.memory_space<semaphore_mem>>
    %dma_start3A_13 = tpu.memref_squeeze %dma_start3A_12 : memref<1x!tpu.dma_semaphore, #tpu.memory_space<semaphore_mem>> -> memref<!tpu.dma_semaphore, #tpu.memory_space<semaphore_mem>>
    %dma_start3A_14 = arith.constant 128 : i32
    %dma_start3A_15 = arith.constant 0 : i32
    %dma_start3A_16 = tpu.memref_slice %arg7[%dma_start3A_10, %dma_start3A_14, %dma_start3A_15] : memref<3x512x2048xf32, #tpu.memory_space<vmem>> -> memref<1x128x2048xf32, #tpu.memory_space<vmem>>
    %dma_start3A_17 = tpu.memref_squeeze %dma_start3A_16 : memref<1x128x2048xf32, #tpu.memory_space<vmem>> -> memref<128x2048xf32, #tpu.memory_space<vmem>>
    %dma_start3A_18 = arith.constant 128 : i32
    %dma_start3A_19 = arith.constant 0 : i32
    %dma_start3A_20 = tpu.memref_slice %arg3[%dma_start3A_18, %dma_start3A_19] : memref<512x100000xf32, #tpu.memory_space<any>> -> memref<128x2048xf32, #tpu.memory_space<any>>
    tpu.enqueue_dma source(%dma_start3A_20 : memref<128x2048xf32, #tpu.memory_space<any>>) target(%dma_start3A_17 : memref<128x2048xf32, #tpu.memory_space<vmem>>) target_semaphore(%dma_start3A_13 : memref<!tpu.dma_semaphore, #tpu.memory_space<semaphore_mem>>) {priority = 1 : i32}
    %dma_start3A_21 = arith.constant 0 : i32
    %dma_start3A_22 = arith.constant 0 : i32
    %dma_start3A_23 = tpu.memref_slice %arg10[%dma_start3A_22] : memref<3x!tpu.dma_semaphore, #tpu.memory_space<semaphore_mem>> -> memref<1x!tpu.dma_semaphore, #tpu.memory_space<semaphore_mem>>
    %dma_start3A_24 = tpu.memref_squeeze %dma_start3A_23 : memref<1x!tpu.dma_semaphore, #tpu.memory_space<semaphore_mem>> -> memref<!tpu.dma_semaphore, #tpu.memory_space<semaphore_mem>>
    %dma_start3A_25 = arith.constant 256 : i32
    %dma_start3A_26 = arith.constant 0 : i32
    %dma_start3A_27 = tpu.memref_slice %arg7[%dma_start3A_21, %dma_start3A_25, %dma_start3A_26] : memref<3x512x2048xf32, #tpu.memory_space<vmem>> -> memref<1x128x2048xf32, #tpu.memory_space<vmem>>
    %dma_start3A_28 = tpu.memref_squeeze %dma_start3A_27 : memref<1x128x2048xf32, #tpu.memory_space<vmem>> -> memref<128x2048xf32, #tpu.memory_space<vmem>>
    %dma_start3A_29 = arith.constant 256 : i32
    %dma_start3A_30 = arith.constant 0 : i32
    %dma_start3A_31 = tpu.memref_slice %arg3[%dma_start3A_29, %dma_start3A_30] : memref<512x100000xf32, #tpu.memory_space<any>> -> memref<128x2048xf32, #tpu.memory_space<any>>
    tpu.enqueue_dma source(%dma_start3A_31 : memref<128x2048xf32, #tpu.memory_space<any>>) target(%dma_start3A_28 : memref<128x2048xf32, #tpu.memory_space<vmem>>) target_semaphore(%dma_start3A_24 : memref<!tpu.dma_semaphore, #tpu.memory_space<semaphore_mem>>)
    %dma_start3A_32 = arith.constant 0 : i32
    %dma_start3A_33 = arith.constant 0 : i32
    %dma_start3A_34 = tpu.memref_slice %arg10[%dma_start3A_33] : memref<3x!tpu.dma_semaphore, #tpu.memory_space<semaphore_mem>> -> memref<1x!tpu.dma_semaphore, #tpu.memory_space<semaphore_mem>>
    %dma_start3A_35 = tpu.memref_squeeze %dma_start3A_34 : memref<1x!tpu.dma_semaphore, #tpu.memory_space<semaphore_mem>> -> memref<!tpu.dma_semaphore, #tpu.memory_space<semaphore_mem>>
    %dma_start3A_36 = arith.constant 384 : i32
    %dma_start3A_37 = arith.constant 0 : i32
    %dma_start3A_38 = tpu.memref_slice %arg7[%dma_start3A_32, %dma_start3A_36, %dma_start3A_37] : memref<3x512x2048xf32, #tpu.memory_space<vmem>> -> memref<1x128x2048xf32, #tpu.memory_space<vmem>>
    %dma_start3A_39 = tpu.memref_squeeze %dma_start3A_38 : memref<1x128x2048xf32, #tpu.memory_space<vmem>> -> memref<128x2048xf32, #tpu.memory_space<vmem>>
    %dma_start3A_40 = arith.constant 384 : i32
    %dma_start3A_41 = arith.constant 0 : i32
    %dma_start3A_42 = tpu.memref_slice %arg3[%dma_start3A_40, %dma_start3A_41] : memref<512x100000xf32, #tpu.memory_space<any>> -> memref<128x2048xf32, #tpu.memory_space<any>>
    tpu.enqueue_dma source(%dma_start3A_42 : memref<128x2048xf32, #tpu.memory_space<any>>) target(%dma_start3A_39 : memref<128x2048xf32, #tpu.memory_space<vmem>>) target_semaphore(%dma_start3A_35 : memref<!tpu.dma_semaphore, #tpu.memory_space<semaphore_mem>>) {priority = 1 : i32}
    %dma_start3A_43 = arith.constant 0 : i32
    %dma_start3A_44 = arith.constant 0 : i32
    %dma_start3A_45 = tpu.memref_slice %arg10[%dma_start3A_44] : memref<3x!tpu.dma_semaphore, #tpu.memory_space<semaphore_mem>> -> memref<1x!tpu.dma_semaphore, #tpu.memory_space<semaphore_mem>>
    %dma_start3A_46 = tpu.memref_squeeze %dma_start3A_45 : memref<1x!tpu.dma_semaphore, #tpu.memory_space<semaphore_mem>> -> memref<!tpu.dma_semaphore, #tpu.memory_space<semaphore_mem>>
    %dma_start3A_47 = arith.constant 0 : i32
    %dma_start3A_48 = arith.constant 0 : i32
    %dma_start3A_49 = tpu.memref_slice %arg8[%dma_start3A_43, %dma_start3A_47, %dma_start3A_48] : memref<3x1x2048xf32, #tpu.memory_space<vmem>> -> memref<1x1x2048xf32, #tpu.memory_space<vmem>>
    %dma_start3A_50 = tpu.memref_squeeze %dma_start3A_49 : memref<1x1x2048xf32, #tpu.memory_space<vmem>> -> memref<1x2048xf32, #tpu.memory_space<vmem>>
    %dma_start3A_51 = arith.constant 0 : i32
    %dma_start3A_52 = arith.constant 0 : i32
    %dma_start3A_53 = tpu.memref_slice %arg4[%dma_start3A_51, %dma_start3A_52] : memref<1x100000xf32, #tpu.memory_space<any>> -> memref<1x2048xf32, #tpu.memory_space<any>>
    tpu.enqueue_dma source(%dma_start3A_53 : memref<1x2048xf32, #tpu.memory_space<any>>) target(%dma_start3A_50 : memref<1x2048xf32, #tpu.memory_space<vmem>>) target_semaphore(%dma_start3A_46 : memref<!tpu.dma_semaphore, #tpu.memory_space<semaphore_mem>>)
    %dma_start3A_54 = arith.constant 1 : i32
    %dma_start3A_55 = arith.constant 1 : i32
    %dma_start3A_56 = tpu.memref_slice %arg10[%dma_start3A_55] : memref<3x!tpu.dma_semaphore, #tpu.memory_space<semaphore_mem>> -> memref<1x!tpu.dma_semaphore, #tpu.memory_space<semaphore_mem>>
    %dma_start3A_57 = tpu.memref_squeeze %dma_start3A_56 : memref<1x!tpu.dma_semaphore, #tpu.memory_space<semaphore_mem>> -> memref<!tpu.dma_semaphore, #tpu.memory_space<semaphore_mem>>
    %dma_start3A_58 = arith.constant 0 : i32
    %dma_start3A_59 = arith.constant 0 : i32
    %dma_start3A_60 = tpu.memref_slice %arg7[%dma_start3A_54, %dma_start3A_58, %dma_start3A_59] : memref<3x512x2048xf32, #tpu.memory_space<vmem>> -> memref<1x128x2048xf32, #tpu.memory_space<vmem>>
    %dma_start3A_61 = tpu.memref_squeeze %dma_start3A_60 : memref<1x128x2048xf32, #tpu.memory_space<vmem>> -> memref<128x2048xf32, #tpu.memory_space<vmem>>
    %dma_start3A_62 = arith.constant 0 : i32
    %dma_start3A_63 = arith.constant 2048 : i32
    %dma_start3A_64 = tpu.memref_slice %arg3[%dma_start3A_62, %dma_start3A_63] : memref<512x100000xf32, #tpu.memory_space<any>> -> memref<128x2048xf32, #tpu.memory_space<any>>
    tpu.enqueue_dma source(%dma_start3A_64 : memref<128x2048xf32, #tpu.memory_space<any>>) target(%dma_start3A_61 : memref<128x2048xf32, #tpu.memory_space<vmem>>) target_semaphore(%dma_start3A_57 : memref<!tpu.dma_semaphore, #tpu.memory_space<semaphore_mem>>)
    %dma_start3A_65 = arith.constant 1 : i32
    %dma_start3A_66 = arith.constant 1 : i32
    %dma_start3A_67 = tpu.memref_slice %arg10[%dma_start3A_66] : memref<3x!tpu.dma_semaphore, #tpu.memory_space<semaphore_mem>> -> memref<1x!tpu.dma_semaphore, #tpu.memory_space<semaphore_mem>>
    %dma_start3A_68 = tpu.memref_squeeze %dma_start3A_67 : memref<1x!tpu.dma_semaphore, #tpu.memory_space<semaphore_mem>> -> memref<!tpu.dma_semaphore, #tpu.memory_space<semaphore_mem>>
    %dma_start3A_69 = arith.constant 128 : i32
    %dma_start3A_70 = arith.constant 0 : i32
    %dma_start3A_71 = tpu.memref_slice %arg7[%dma_start3A_65, %dma_start3A_69, %dma_start3A_70] : memref<3x512x2048xf32, #tpu.memory_space<vmem>> -> memref<1x128x2048xf32, #tpu.memory_space<vmem>>
    %dma_start3A_72 = tpu.memref_squeeze %dma_start3A_71 : memref<1x128x2048xf32, #tpu.memory_space<vmem>> -> memref<128x2048xf32, #tpu.memory_space<vmem>>
    %dma_start3A_73 = arith.constant 128 : i32
    %dma_start3A_74 = arith.constant 2048 : i32
    %dma_start3A_75 = tpu.memref_slice %arg3[%dma_start3A_73, %dma_start3A_74] : memref<512x100000xf32, #tpu.memory_space<any>> -> memref<128x2048xf32, #tpu.memory_space<any>>
    tpu.enqueue_dma source(%dma_start3A_75 : memref<128x2048xf32, #tpu.memory_space<any>>) target(%dma_start3A_72 : memref<128x2048xf32, #tpu.memory_space<vmem>>) target_semaphore(%dma_start3A_68 : memref<!tpu.dma_semaphore, #tpu.memory_space<semaphore_mem>>) {priority = 1 : i32}
    %dma_start3A_76 = arith.constant 1 : i32
    %dma_start3A_77 = arith.constant 1 : i32
    %dma_start3A_78 = tpu.memref_slice %arg10[%dma_start3A_77] : memref<3x!tpu.dma_semaphore, #tpu.memory_space<semaphore_mem>> -> memref<1x!tpu.dma_semaphore, #tpu.memory_space<semaphore_mem>>
    %dma_start3A_79 = tpu.memref_squeeze %dma_start3A_78 : memref<1x!tpu.dma_semaphore, #tpu.memory_space<semaphore_mem>> -> memref<!tpu.dma_semaphore, #tpu.memory_space<semaphore_mem>>
    %dma_start3A_80 = arith.constant 256 : i32
    %dma_start3A_81 = arith.constant 0 : i32
    %dma_start3A_82 = tpu.memref_slice %arg7[%dma_start3A_76, %dma_start3A_80, %dma_start3A_81] : memref<3x512x2048xf32, #tpu.memory_space<vmem>> -> memref<1x128x2048xf32, #tpu.memory_space<vmem>>
    %dma_start3A_83 = tpu.memref_squeeze %dma_start3A_82 : memref<1x128x2048xf32, #tpu.memory_space<vmem>> -> memref<128x2048xf32, #tpu.memory_space<vmem>>
    %dma_start3A_84 = arith.constant 256 : i32
    %dma_start3A_85 = arith.constant 2048 : i32
    %dma_start3A_86 = tpu.memref_slice %arg3[%dma_start3A_84, %dma_start3A_85] : memref<512x100000xf32, #tpu.memory_space<any>> -> memref<128x2048xf32, #tpu.memory_space<any>>
    tpu.enqueue_dma source(%dma_start3A_86 : memref<128x2048xf32, #tpu.memory_space<any>>) target(%dma_start3A_83 : memref<128x2048xf32, #tpu.memory_space<vmem>>) target_semaphore(%dma_start3A_79 : memref<!tpu.dma_semaphore, #tpu.memory_space<semaphore_mem>>)
    %dma_start3A_87 = arith.constant 1 : i32
    %dma_start3A_88 = arith.constant 1 : i32
    %dma_start3A_89 = tpu.memref_slice %arg10[%dma_start3A_88] : memref<3x!tpu.dma_semaphore, #tpu.memory_space<semaphore_mem>> -> memref<1x!tpu.dma_semaphore, #tpu.memory_space<semaphore_mem>>
    %dma_start3A_90 = tpu.memref_squeeze %dma_start3A_89 : memref<1x!tpu.dma_semaphore, #tpu.memory_space<semaphore_mem>> -> memref<!tpu.dma_semaphore, #tpu.memory_space<semaphore_mem>>
    %dma_start3A_91 = arith.constant 384 : i32
    %dma_start3A_92 = arith.constant 0 : i32
    %dma_start3A_93 = tpu.memref_slice %arg7[%dma_start3A_87, %dma_start3A_91, %dma_start3A_92] : memref<3x512x2048xf32, #tpu.memory_space<vmem>> -> memref<1x128x2048xf32, #tpu.memory_space<vmem>>
    %dma_start3A_94 = tpu.memref_squeeze %dma_start3A_93 : memref<1x128x2048xf32, #tpu.memory_space<vmem>> -> memref<128x2048xf32, #tpu.memory_space<vmem>>
    %dma_start3A_95 = arith.constant 384 : i32
    %dma_start3A_96 = arith.constant 2048 : i32
    %dma_start3A_97 = tpu.memref_slice %arg3[%dma_start3A_95, %dma_start3A_96] : memref<512x100000xf32, #tpu.memory_space<any>> -> memref<128x2048xf32, #tpu.memory_space<any>>
    tpu.enqueue_dma source(%dma_start3A_97 : memref<128x2048xf32, #tpu.memory_space<any>>) target(%dma_start3A_94 : memref<128x2048xf32, #tpu.memory_space<vmem>>) target_semaphore(%dma_start3A_90 : memref<!tpu.dma_semaphore, #tpu.memory_space<semaphore_mem>>) {priority = 1 : i32}
    %dma_start3A_98 = arith.constant 1 : i32
    %dma_start3A_99 = arith.constant 1 : i32
    %dma_start3A_100 = tpu.memref_slice %arg10[%dma_start3A_99] : memref<3x!tpu.dma_semaphore, #tpu.memory_space<semaphore_mem>> -> memref<1x!tpu.dma_semaphore, #tpu.memory_space<semaphore_mem>>
    %dma_start3A_101 = tpu.memref_squeeze %dma_start3A_100 : memref<1x!tpu.dma_semaphore, #tpu.memory_space<semaphore_mem>> -> memref<!tpu.dma_semaphore, #tpu.memory_space<semaphore_mem>>
    %dma_start3A_102 = arith.constant 0 : i32
    %dma_start3A_103 = arith.constant 0 : i32
    %dma_start3A_104 = tpu.memref_slice %arg8[%dma_start3A_98, %dma_start3A_102, %dma_start3A_103] : memref<3x1x2048xf32, #tpu.memory_space<vmem>> -> memref<1x1x2048xf32, #tpu.memory_space<vmem>>
    %dma_start3A_105 = tpu.memref_squeeze %dma_start3A_104 : memref<1x1x2048xf32, #tpu.memory_space<vmem>> -> memref<1x2048xf32, #tpu.memory_space<vmem>>
    %dma_start3A_106 = arith.constant 0 : i32
    %dma_start3A_107 = arith.constant 2048 : i32
    %dma_start3A_108 = tpu.memref_slice %arg4[%dma_start3A_106, %dma_start3A_107] : memref<1x100000xf32, #tpu.memory_space<any>> -> memref<1x2048xf32, #tpu.memory_space<any>>
    tpu.enqueue_dma source(%dma_start3A_108 : memref<1x2048xf32, #tpu.memory_space<any>>) target(%dma_start3A_105 : memref<1x2048xf32, #tpu.memory_space<vmem>>) target_semaphore(%dma_start3A_101 : memref<!tpu.dma_semaphore, #tpu.memory_space<semaphore_mem>>)
    %get3A = arith.constant 0 : index
    %get3A_109 = arith.constant 0 : index
    %get3A_110 = vector.load %arg0[%get3A, %get3A_109] : memref<1024x1280xf32, #tpu.memory_space<vmem>>, vector<1024x1280xf32>
    %convert_element_type3A = arith.truncf %get3A_110 : vector<1024x1280xf32> to vector<1024x1280xbf16>
    %get3A_111 = arith.constant 0 : index
    %get3A_112 = arith.constant 0 : index
    %get3A_113 = vector.load %arg1[%get3A_111, %get3A_112] : memref<1280x512xf32, #tpu.memory_space<vmem>>, vector<1280x512xf32>
    %convert_element_type3A_114 = arith.truncf %get3A_113 : vector<1280x512xf32> to vector<1280x512xbf16>
    %dot_general3A = arith.constant dense<0.000000e+00> : vector<1024x512xf32>
    %dot_general3A_115 = tpu.matmul %convert_element_type3A, %convert_element_type3A_114, %dot_general3A {dimension_numbers = #tpu.dot_dimension_numbers<[1], [0], [0], [1], [0, 0, 1, 1], [], []>, transpose_lhs_hint = false} : vector<1024x1280xbf16>, vector<1280x512xbf16>, vector<1024x512xf32> -> vector<1024x512xf32>
    %get3A_116 = arith.constant 0 : index
    %get3A_117 = arith.constant 0 : index
    %get3A_118 = vector.load %arg2[%get3A_116, %get3A_117] : memref<1x512xf32, #tpu.memory_space<vmem>>, vector<1x512xf32>
    %add3A = vector.broadcast %get3A_118 : vector<1x512xf32> to vector<1024x512xf32>
    %add3A_119 = arith.addf %dot_general3A_115, %add3A : vector<1024x512xf32>
    %max3A = arith.constant 0.000000e+00 : f32
    %max3A_120 = vector.broadcast %max3A : f32 to vector<1024x512xf32>
    %max3A_121 = arith.maximumf %add3A_119, %max3A_120 : vector<1024x512xf32>
    %convert_element_type3A_122 = arith.truncf %max3A_121 : vector<1024x512xf32> to vector<1024x512xbf16>
    %swap3A = arith.constant 0 : index
    %swap3A_123 = arith.constant 0 : index
    %swap3A_124 = vector.load %arg6[%swap3A, %swap3A_123] : memref<1024x512xbf16, #tpu.memory_space<vmem>>, vector<1024x512xbf16>
    tpu.vector_store %arg6[%swap3A, %swap3A_123], %convert_element_type3A_122 {strides = array<i32>} : memref<1024x512xbf16, #tpu.memory_space<vmem>>, vector<1024x512xbf16>,
    %scan3A = arith.constant 0 : i32
    %scan3A_125 = arith.constant 48 : i32
    %scan3A_126 = arith.addi %scan3A, %scan3A_125 : i32
    %scan3A_127 = arith.constant 1 : i32
    scf.for %scan3A_392 = %scan3A to %scan3A_126 step %scan3A_127  : i32 {
      %rem3A = arith.constant 3 : i32
      %rem3A_393 = arith.remsi %scan3A_392, %rem3A : i32
      %add3A_394 = arith.constant 2 : i32
      %add3A_395 = arith.addi %scan3A_392, %add3A_394 : i32
      %lt3A = arith.constant 48 : i32
      %lt3A_396 = arith.cmpi slt, %add3A_395, %lt3A : i32
      %convert_element_type3A_397 = arith.extui %lt3A_396 : i1 to i32
      %cond3A = arith.constant 0 : i32
      %cond3A_398 = arith.cmpi ne, %convert_element_type3A_397, %cond3A : i32
      scf.if %cond3A_398 {
        %add3A_534 = arith.constant 2 : i32
        %add3A_535 = arith.addi %scan3A_392, %add3A_534 : i32
        %add3A_536 = arith.constant 2 : i32
        %add3A_537 = arith.addi %scan3A_392, %add3A_536 : i32
        %rem3A_538 = arith.constant 3 : i32
        %rem3A_539 = arith.remsi %add3A_537, %rem3A_538 : i32
        %mul3A_540 = arith.constant 2048 : i32
        %mul3A_541 = arith.muli %add3A_535, %mul3A_540 : i32
        %dma_start3A_542 = tpu.memref_slice %arg10[%rem3A_539] : memref<3x!tpu.dma_semaphore, #tpu.memory_space<semaphore_mem>> -> memref<1x!tpu.dma_semaphore, #tpu.memory_space<semaphore_mem>>
        %dma_start3A_543 = tpu.memref_squeeze %dma_start3A_542 : memref<1x!tpu.dma_semaphore, #tpu.memory_space<semaphore_mem>> -> memref<!tpu.dma_semaphore, #tpu.memory_space<semaphore_mem>>
        %dma_start3A_544 = arith.constant 0 : i32
        %dma_start3A_545 = arith.constant 0 : i32
        %dma_start3A_546 = tpu.memref_slice %arg7[%rem3A_539, %dma_start3A_544, %dma_start3A_545] : memref<3x512x2048xf32, #tpu.memory_space<vmem>> -> memref<1x128x2048xf32, #tpu.memory_space<vmem>>
        %dma_start3A_547 = tpu.memref_squeeze %dma_start3A_546 : memref<1x128x2048xf32, #tpu.memory_space<vmem>> -> memref<128x2048xf32, #tpu.memory_space<vmem>>
        %dma_start3A_548 = arith.constant 0 : i32
        %dma_start3A_549 = tpu.memref_slice %arg3[%dma_start3A_548, %mul3A_541] : memref<512x100000xf32, #tpu.memory_space<any>> -> memref<128x2048xf32, #tpu.memory_space<any>>
        tpu.enqueue_dma source(%dma_start3A_549 : memref<128x2048xf32, #tpu.memory_space<any>>) target(%dma_start3A_547 : memref<128x2048xf32, #tpu.memory_space<vmem>>) target_semaphore(%dma_start3A_543 : memref<!tpu.dma_semaphore, #tpu.memory_space<semaphore_mem>>)
        %dma_start3A_550 = tpu.memref_slice %arg10[%rem3A_539] : memref<3x!tpu.dma_semaphore, #tpu.memory_space<semaphore_mem>> -> memref<1x!tpu.dma_semaphore, #tpu.memory_space<semaphore_mem>>
        %dma_start3A_551 = tpu.memref_squeeze %dma_start3A_550 : memref<1x!tpu.dma_semaphore, #tpu.memory_space<semaphore_mem>> -> memref<!tpu.dma_semaphore, #tpu.memory_space<semaphore_mem>>
        %dma_start3A_552 = arith.constant 128 : i32
        %dma_start3A_553 = arith.constant 0 : i32
        %dma_start3A_554 = tpu.memref_slice %arg7[%rem3A_539, %dma_start3A_552, %dma_start3A_553] : memref<3x512x2048xf32, #tpu.memory_space<vmem>> -> memref<1x128x2048xf32, #tpu.memory_space<vmem>>
        %dma_start3A_555 = tpu.memref_squeeze %dma_start3A_554 : memref<1x128x2048xf32, #tpu.memory_space<vmem>> -> memref<128x2048xf32, #tpu.memory_space<vmem>>
        %dma_start3A_556 = arith.constant 128 : i32
        %dma_start3A_557 = tpu.memref_slice %arg3[%dma_start3A_556, %mul3A_541] : memref<512x100000xf32, #tpu.memory_space<any>> -> memref<128x2048xf32, #tpu.memory_space<any>>
        tpu.enqueue_dma source(%dma_start3A_557 : memref<128x2048xf32, #tpu.memory_space<any>>) target(%dma_start3A_555 : memref<128x2048xf32, #tpu.memory_space<vmem>>) target_semaphore(%dma_start3A_551 : memref<!tpu.dma_semaphore, #tpu.memory_space<semaphore_mem>>) {priority = 1 : i32}
        %dma_start3A_558 = tpu.memref_slice %arg10[%rem3A_539] : memref<3x!tpu.dma_semaphore, #tpu.memory_space<semaphore_mem>> -> memref<1x!tpu.dma_semaphore, #tpu.memory_space<semaphore_mem>>
        %dma_start3A_559 = tpu.memref_squeeze %dma_start3A_558 : memref<1x!tpu.dma_semaphore, #tpu.memory_space<semaphore_mem>> -> memref<!tpu.dma_semaphore, #tpu.memory_space<semaphore_mem>>
        %dma_start3A_560 = arith.constant 256 : i32
        %dma_start3A_561 = arith.constant 0 : i32
        %dma_start3A_562 = tpu.memref_slice %arg7[%rem3A_539, %dma_start3A_560, %dma_start3A_561] : memref<3x512x2048xf32, #tpu.memory_space<vmem>> -> memref<1x128x2048xf32, #tpu.memory_space<vmem>>
        %dma_start3A_563 = tpu.memref_squeeze %dma_start3A_562 : memref<1x128x2048xf32, #tpu.memory_space<vmem>> -> memref<128x2048xf32, #tpu.memory_space<vmem>>
        %dma_start3A_564 = arith.constant 256 : i32
        %dma_start3A_565 = tpu.memref_slice %arg3[%dma_start3A_564, %mul3A_541] : memref<512x100000xf32, #tpu.memory_space<any>> -> memref<128x2048xf32, #tpu.memory_space<any>>
        tpu.enqueue_dma source(%dma_start3A_565 : memref<128x2048xf32, #tpu.memory_space<any>>) target(%dma_start3A_563 : memref<128x2048xf32, #tpu.memory_space<vmem>>) target_semaphore(%dma_start3A_559 : memref<!tpu.dma_semaphore, #tpu.memory_space<semaphore_mem>>)
        %dma_start3A_566 = tpu.memref_slice %arg10[%rem3A_539] : memref<3x!tpu.dma_semaphore, #tpu.memory_space<semaphore_mem>> -> memref<1x!tpu.dma_semaphore, #tpu.memory_space<semaphore_mem>>
        %dma_start3A_567 = tpu.memref_squeeze %dma_start3A_566 : memref<1x!tpu.dma_semaphore, #tpu.memory_space<semaphore_mem>> -> memref<!tpu.dma_semaphore, #tpu.memory_space<semaphore_mem>>
        %dma_start3A_568 = arith.constant 384 : i32
        %dma_start3A_569 = arith.constant 0 : i32
        %dma_start3A_570 = tpu.memref_slice %arg7[%rem3A_539, %dma_start3A_568, %dma_start3A_569] : memref<3x512x2048xf32, #tpu.memory_space<vmem>> -> memref<1x128x2048xf32, #tpu.memory_space<vmem>>
        %dma_start3A_571 = tpu.memref_squeeze %dma_start3A_570 : memref<1x128x2048xf32, #tpu.memory_space<vmem>> -> memref<128x2048xf32, #tpu.memory_space<vmem>>
        %dma_start3A_572 = arith.constant 384 : i32
        %dma_start3A_573 = tpu.memref_slice %arg3[%dma_start3A_572, %mul3A_541] : memref<512x100000xf32, #tpu.memory_space<any>> -> memref<128x2048xf32, #tpu.memory_space<any>>
        tpu.enqueue_dma source(%dma_start3A_573 : memref<128x2048xf32, #tpu.memory_space<any>>) target(%dma_start3A_571 : memref<128x2048xf32, #tpu.memory_space<vmem>>) target_semaphore(%dma_start3A_567 : memref<!tpu.dma_semaphore, #tpu.memory_space<semaphore_mem>>) {priority = 1 : i32}
        %dma_start3A_574 = tpu.memref_slice %arg10[%rem3A_539] : memref<3x!tpu.dma_semaphore, #tpu.memory_space<semaphore_mem>> -> memref<1x!tpu.dma_semaphore, #tpu.memory_space<semaphore_mem>>
        %dma_start3A_575 = tpu.memref_squeeze %dma_start3A_574 : memref<1x!tpu.dma_semaphore, #tpu.memory_space<semaphore_mem>> -> memref<!tpu.dma_semaphore, #tpu.memory_space<semaphore_mem>>
        %dma_start3A_576 = arith.constant 0 : i32
        %dma_start3A_577 = arith.constant 0 : i32
        %dma_start3A_578 = tpu.memref_slice %arg8[%rem3A_539, %dma_start3A_576, %dma_start3A_577] : memref<3x1x2048xf32, #tpu.memory_space<vmem>> -> memref<1x1x2048xf32, #tpu.memory_space<vmem>>
        %dma_start3A_579 = tpu.memref_squeeze %dma_start3A_578 : memref<1x1x2048xf32, #tpu.memory_space<vmem>> -> memref<1x2048xf32, #tpu.memory_space<vmem>>
        %dma_start3A_580 = arith.constant 0 : i32
        %dma_start3A_581 = tpu.memref_slice %arg4[%dma_start3A_580, %mul3A_541] : memref<1x100000xf32, #tpu.memory_space<any>> -> memref<1x2048xf32, #tpu.memory_space<any>>
        tpu.enqueue_dma source(%dma_start3A_581 : memref<1x2048xf32, #tpu.memory_space<any>>) target(%dma_start3A_579 : memref<1x2048xf32, #tpu.memory_space<vmem>>) target_semaphore(%dma_start3A_575 : memref<!tpu.dma_semaphore, #tpu.memory_space<semaphore_mem>>)
      } else {
      }
      %mul3A = arith.constant 2048 : i32
      %mul3A_399 = arith.muli %scan3A_392, %mul3A : i32
      %dma_wait3A_400 = tpu.memref_slice %arg10[%rem3A_393] : memref<3x!tpu.dma_semaphore, #tpu.memory_space<semaphore_mem>> -> memref<1x!tpu.dma_semaphore, #tpu.memory_space<semaphore_mem>>
      %dma_wait3A_401 = tpu.memref_squeeze %dma_wait3A_400 : memref<1x!tpu.dma_semaphore, #tpu.memory_space<semaphore_mem>> -> memref<!tpu.dma_semaphore, #tpu.memory_space<semaphore_mem>>
      %dma_wait3A_402 = arith.constant 0 : i32
      %dma_wait3A_403 = arith.constant 0 : i32
      %dma_wait3A_404 = tpu.memref_slice %arg7[%rem3A_393, %dma_wait3A_402, %dma_wait3A_403] : memref<3x512x2048xf32, #tpu.memory_space<vmem>> -> memref<1x128x2048xf32, #tpu.memory_space<vmem>>
      %dma_wait3A_405 = tpu.memref_squeeze %dma_wait3A_404 : memref<1x128x2048xf32, #tpu.memory_space<vmem>> -> memref<128x2048xf32, #tpu.memory_space<vmem>>
      %dma_wait3A_406 = arith.constant 0 : i32
      %dma_wait3A_407 = tpu.memref_slice %arg3[%dma_wait3A_406, %mul3A_399] : memref<512x100000xf32, #tpu.memory_space<any>> -> memref<128x2048xf32, #tpu.memory_space<any>>
      tpu.wait_dma2 semaphore(%dma_wait3A_401 : memref<!tpu.dma_semaphore, #tpu.memory_space<semaphore_mem>>) src(%dma_wait3A_407 : memref<128x2048xf32, #tpu.memory_space<any>>) dst(%dma_wait3A_405 : memref<128x2048xf32, #tpu.memory_space<vmem>>)
      %dma_wait3A_408 = tpu.memref_slice %arg10[%rem3A_393] : memref<3x!tpu.dma_semaphore, #tpu.memory_space<semaphore_mem>> -> memref<1x!tpu.dma_semaphore, #tpu.memory_space<semaphore_mem>>
      %dma_wait3A_409 = tpu.memref_squeeze %dma_wait3A_408 : memref<1x!tpu.dma_semaphore, #tpu.memory_space<semaphore_mem>> -> memref<!tpu.dma_semaphore, #tpu.memory_space<semaphore_mem>>
      %dma_wait3A_410 = arith.constant 128 : i32
      %dma_wait3A_411 = arith.constant 0 : i32
      %dma_wait3A_412 = tpu.memref_slice %arg7[%rem3A_393, %dma_wait3A_410, %dma_wait3A_411] : memref<3x512x2048xf32, #tpu.memory_space<vmem>> -> memref<1x128x2048xf32, #tpu.memory_space<vmem>>
      %dma_wait3A_413 = tpu.memref_squeeze %dma_wait3A_412 : memref<1x128x2048xf32, #tpu.memory_space<vmem>> -> memref<128x2048xf32, #tpu.memory_space<vmem>>
      %dma_wait3A_414 = arith.constant 128 : i32
      %dma_wait3A_415 = tpu.memref_slice %arg3[%dma_wait3A_414, %mul3A_399] : memref<512x100000xf32, #tpu.memory_space<any>> -> memref<128x2048xf32, #tpu.memory_space<any>>
      tpu.wait_dma2 semaphore(%dma_wait3A_409 : memref<!tpu.dma_semaphore, #tpu.memory_space<semaphore_mem>>) src(%dma_wait3A_415 : memref<128x2048xf32, #tpu.memory_space<any>>) dst(%dma_wait3A_413 : memref<128x2048xf32, #tpu.memory_space<vmem>>)
      %dma_wait3A_416 = tpu.memref_slice %arg10[%rem3A_393] : memref<3x!tpu.dma_semaphore, #tpu.memory_space<semaphore_mem>> -> memref<1x!tpu.dma_semaphore, #tpu.memory_space<semaphore_mem>>
      %dma_wait3A_417 = tpu.memref_squeeze %dma_wait3A_416 : memref<1x!tpu.dma_semaphore, #tpu.memory_space<semaphore_mem>> -> memref<!tpu.dma_semaphore, #tpu.memory_space<semaphore_mem>>
      %dma_wait3A_418 = arith.constant 256 : i32
      %dma_wait3A_419 = arith.constant 0 : i32
      %dma_wait3A_420 = tpu.memref_slice %arg7[%rem3A_393, %dma_wait3A_418, %dma_wait3A_419] : memref<3x512x2048xf32, #tpu.memory_space<vmem>> -> memref<1x128x2048xf32, #tpu.memory_space<vmem>>
      %dma_wait3A_421 = tpu.memref_squeeze %dma_wait3A_420 : memref<1x128x2048xf32, #tpu.memory_space<vmem>> -> memref<128x2048xf32, #tpu.memory_space<vmem>>
      %dma_wait3A_422 = arith.constant 256 : i32
      %dma_wait3A_423 = tpu.memref_slice %arg3[%dma_wait3A_422, %mul3A_399] : memref<512x100000xf32, #tpu.memory_space<any>> -> memref<128x2048xf32, #tpu.memory_space<any>>
      tpu.wait_dma2 semaphore(%dma_wait3A_417 : memref<!tpu.dma_semaphore, #tpu.memory_space<semaphore_mem>>) src(%dma_wait3A_423 : memref<128x2048xf32, #tpu.memory_space<any>>) dst(%dma_wait3A_421 : memref<128x2048xf32, #tpu.memory_space<vmem>>)
      %dma_wait3A_424 = tpu.memref_slice %arg10[%rem3A_393] : memref<3x!tpu.dma_semaphore, #tpu.memory_space<semaphore_mem>> -> memref<1x!tpu.dma_semaphore, #tpu.memory_space<semaphore_mem>>
      %dma_wait3A_425 = tpu.memref_squeeze %dma_wait3A_424 : memref<1x!tpu.dma_semaphore, #tpu.memory_space<semaphore_mem>> -> memref<!tpu.dma_semaphore, #tpu.memory_space<semaphore_mem>>
      %dma_wait3A_426 = arith.constant 384 : i32
      %dma_wait3A_427 = arith.constant 0 : i32
      %dma_wait3A_428 = tpu.memref_slice %arg7[%rem3A_393, %dma_wait3A_426, %dma_wait3A_427] : memref<3x512x2048xf32, #tpu.memory_space<vmem>> -> memref<1x128x2048xf32, #tpu.memory_space<vmem>>
      %dma_wait3A_429 = tpu.memref_squeeze %dma_wait3A_428 : memref<1x128x2048xf32, #tpu.memory_space<vmem>> -> memref<128x2048xf32, #tpu.memory_space<vmem>>
      %dma_wait3A_430 = arith.constant 384 : i32
      %dma_wait3A_431 = tpu.memref_slice %arg3[%dma_wait3A_430, %mul3A_399] : memref<512x100000xf32, #tpu.memory_space<any>> -> memref<128x2048xf32, #tpu.memory_space<any>>
      tpu.wait_dma2 semaphore(%dma_wait3A_425 : memref<!tpu.dma_semaphore, #tpu.memory_space<semaphore_mem>>) src(%dma_wait3A_431 : memref<128x2048xf32, #tpu.memory_space<any>>) dst(%dma_wait3A_429 : memref<128x2048xf32, #tpu.memory_space<vmem>>)
      %dma_wait3A_432 = tpu.memref_slice %arg10[%rem3A_393] : memref<3x!tpu.dma_semaphore, #tpu.memory_space<semaphore_mem>> -> memref<1x!tpu.dma_semaphore, #tpu.memory_space<semaphore_mem>>
      %dma_wait3A_433 = tpu.memref_squeeze %dma_wait3A_432 : memref<1x!tpu.dma_semaphore, #tpu.memory_space<semaphore_mem>> -> memref<!tpu.dma_semaphore, #tpu.memory_space<semaphore_mem>>
      %dma_wait3A_434 = arith.constant 0 : i32
      %dma_wait3A_435 = arith.constant 0 : i32
      %dma_wait3A_436 = tpu.memref_slice %arg8[%rem3A_393, %dma_wait3A_434, %dma_wait3A_435] : memref<3x1x2048xf32, #tpu.memory_space<vmem>> -> memref<1x1x2048xf32, #tpu.memory_space<vmem>>
      %dma_wait3A_437 = tpu.memref_squeeze %dma_wait3A_436 : memref<1x1x2048xf32, #tpu.memory_space<vmem>> -> memref<1x2048xf32, #tpu.memory_space<vmem>>
      %dma_wait3A_438 = arith.constant 0 : i32
      %dma_wait3A_439 = tpu.memref_slice %arg4[%dma_wait3A_438, %mul3A_399] : memref<1x100000xf32, #tpu.memory_space<any>> -> memref<1x2048xf32, #tpu.memory_space<any>>
      tpu.wait_dma2 semaphore(%dma_wait3A_433 : memref<!tpu.dma_semaphore, #tpu.memory_space<semaphore_mem>>) src(%dma_wait3A_439 : memref<1x2048xf32, #tpu.memory_space<any>>) dst(%dma_wait3A_437 : memref<1x2048xf32, #tpu.memory_space<vmem>>)
      %ge3A = arith.constant 3 : i32
      %ge3A_440 = arith.cmpi sge, %scan3A_392, %ge3A : i32
      %convert_element_type3A_441 = arith.extui %ge3A_440 : i1 to i32
      %cond3A_442 = arith.constant 0 : i32
      %cond3A_443 = arith.cmpi ne, %convert_element_type3A_441, %cond3A_442 : i32
      scf.if %cond3A_443 {
        %mul3A_534 = arith.constant 2048 : i32
        %mul3A_535 = arith.muli %scan3A_392, %mul3A_534 : i32
        %dma_wait3A_536 = tpu.memref_slice %arg11[%rem3A_393] : memref<3x!tpu.dma_semaphore, #tpu.memory_space<semaphore_mem>> -> memref<1x!tpu.dma_semaphore, #tpu.memory_space<semaphore_mem>>
        %dma_wait3A_537 = tpu.memref_squeeze %dma_wait3A_536 : memref<1x!tpu.dma_semaphore, #tpu.memory_space<semaphore_mem>> -> memref<!tpu.dma_semaphore, #tpu.memory_space<semaphore_mem>>
        %dma_wait3A_538 = arith.constant 0 : i32
        %dma_wait3A_539 = tpu.memref_slice %arg5[%dma_wait3A_538, %mul3A_535] : memref<1024x100000xf32, #tpu.memory_space<any>> -> memref<128x2048xf32, #tpu.memory_space<any>>
        %dma_wait3A_540 = arith.constant 0 : i32
        %dma_wait3A_541 = arith.constant 0 : i32
        %dma_wait3A_542 = tpu.memref_slice %arg9[%rem3A_393, %dma_wait3A_540, %dma_wait3A_541] : memref<3x1024x2048xf32, #tpu.memory_space<vmem>> -> memref<1x128x2048xf32, #tpu.memory_space<vmem>>
        %dma_wait3A_543 = tpu.memref_squeeze %dma_wait3A_542 : memref<1x128x2048xf32, #tpu.memory_space<vmem>> -> memref<128x2048xf32, #tpu.memory_space<vmem>>
        tpu.wait_dma2 semaphore(%dma_wait3A_537 : memref<!tpu.dma_semaphore, #tpu.memory_space<semaphore_mem>>) src(%dma_wait3A_543 : memref<128x2048xf32, #tpu.memory_space<vmem>>) dst(%dma_wait3A_539 : memref<128x2048xf32, #tpu.memory_space<any>>)
        %dma_wait3A_544 = tpu.memref_slice %arg11[%rem3A_393] : memref<3x!tpu.dma_semaphore, #tpu.memory_space<semaphore_mem>> -> memref<1x!tpu.dma_semaphore, #tpu.memory_space<semaphore_mem>>
        %dma_wait3A_545 = tpu.memref_squeeze %dma_wait3A_544 : memref<1x!tpu.dma_semaphore, #tpu.memory_space<semaphore_mem>> -> memref<!tpu.dma_semaphore, #tpu.memory_space<semaphore_mem>>
        %dma_wait3A_546 = arith.constant 128 : i32
        %dma_wait3A_547 = tpu.memref_slice %arg5[%dma_wait3A_546, %mul3A_535] : memref<1024x100000xf32, #tpu.memory_space<any>> -> memref<128x2048xf32, #tpu.memory_space<any>>
        %dma_wait3A_548 = arith.constant 128 : i32
        %dma_wait3A_549 = arith.constant 0 : i32
        %dma_wait3A_550 = tpu.memref_slice %arg9[%rem3A_393, %dma_wait3A_548, %dma_wait3A_549] : memref<3x1024x2048xf32, #tpu.memory_space<vmem>> -> memref<1x128x2048xf32, #tpu.memory_space<vmem>>
        %dma_wait3A_551 = tpu.memref_squeeze %dma_wait3A_550 : memref<1x128x2048xf32, #tpu.memory_space<vmem>> -> memref<128x2048xf32, #tpu.memory_space<vmem>>
        tpu.wait_dma2 semaphore(%dma_wait3A_545 : memref<!tpu.dma_semaphore, #tpu.memory_space<semaphore_mem>>) src(%dma_wait3A_551 : memref<128x2048xf32, #tpu.memory_space<vmem>>) dst(%dma_wait3A_547 : memref<128x2048xf32, #tpu.memory_space<any>>)
        %dma_wait3A_552 = tpu.memref_slice %arg11[%rem3A_393] : memref<3x!tpu.dma_semaphore, #tpu.memory_space<semaphore_mem>> -> memref<1x!tpu.dma_semaphore, #tpu.memory_space<semaphore_mem>>
        %dma_wait3A_553 = tpu.memref_squeeze %dma_wait3A_552 : memref<1x!tpu.dma_semaphore, #tpu.memory_space<semaphore_mem>> -> memref<!tpu.dma_semaphore, #tpu.memory_space<semaphore_mem>>
        %dma_wait3A_554 = arith.constant 256 : i32
        %dma_wait3A_555 = tpu.memref_slice %arg5[%dma_wait3A_554, %mul3A_535] : memref<1024x100000xf32, #tpu.memory_space<any>> -> memref<128x2048xf32, #tpu.memory_space<any>>
        %dma_wait3A_556 = arith.constant 256 : i32
        %dma_wait3A_557 = arith.constant 0 : i32
        %dma_wait3A_558 = tpu.memref_slice %arg9[%rem3A_393, %dma_wait3A_556, %dma_wait3A_557] : memref<3x1024x2048xf32, #tpu.memory_space<vmem>> -> memref<1x128x2048xf32, #tpu.memory_space<vmem>>
        %dma_wait3A_559 = tpu.memref_squeeze %dma_wait3A_558 : memref<1x128x2048xf32, #tpu.memory_space<vmem>> -> memref<128x2048xf32, #tpu.memory_space<vmem>>
        tpu.wait_dma2 semaphore(%dma_wait3A_553 : memref<!tpu.dma_semaphore, #tpu.memory_space<semaphore_mem>>) src(%dma_wait3A_559 : memref<128x2048xf32, #tpu.memory_space<vmem>>) dst(%dma_wait3A_555 : memref<128x2048xf32, #tpu.memory_space<any>>)
        %dma_wait3A_560 = tpu.memref_slice %arg11[%rem3A_393] : memref<3x!tpu.dma_semaphore, #tpu.memory_space<semaphore_mem>> -> memref<1x!tpu.dma_semaphore, #tpu.memory_space<semaphore_mem>>
        %dma_wait3A_561 = tpu.memref_squeeze %dma_wait3A_560 : memref<1x!tpu.dma_semaphore, #tpu.memory_space<semaphore_mem>> -> memref<!tpu.dma_semaphore, #tpu.memory_space<semaphore_mem>>
        %dma_wait3A_562 = arith.constant 384 : i32
        %dma_wait3A_563 = tpu.memref_slice %arg5[%dma_wait3A_562, %mul3A_535] : memref<1024x100000xf32, #tpu.memory_space<any>> -> memref<128x2048xf32, #tpu.memory_space<any>>
        %dma_wait3A_564 = arith.constant 384 : i32
        %dma_wait3A_565 = arith.constant 0 : i32
        %dma_wait3A_566 = tpu.memref_slice %arg9[%rem3A_393, %dma_wait3A_564, %dma_wait3A_565] : memref<3x1024x2048xf32, #tpu.memory_space<vmem>> -> memref<1x128x2048xf32, #tpu.memory_space<vmem>>
        %dma_wait3A_567 = tpu.memref_squeeze %dma_wait3A_566 : memref<1x128x2048xf32, #tpu.memory_space<vmem>> -> memref<128x2048xf32, #tpu.memory_space<vmem>>
        tpu.wait_dma2 semaphore(%dma_wait3A_561 : memref<!tpu.dma_semaphore, #tpu.memory_space<semaphore_mem>>) src(%dma_wait3A_567 : memref<128x2048xf32, #tpu.memory_space<vmem>>) dst(%dma_wait3A_563 : memref<128x2048xf32, #tpu.memory_space<any>>)
        %dma_wait3A_568 = tpu.memref_slice %arg11[%rem3A_393] : memref<3x!tpu.dma_semaphore, #tpu.memory_space<semaphore_mem>> -> memref<1x!tpu.dma_semaphore, #tpu.memory_space<semaphore_mem>>
        %dma_wait3A_569 = tpu.memref_squeeze %dma_wait3A_568 : memref<1x!tpu.dma_semaphore, #tpu.memory_space<semaphore_mem>> -> memref<!tpu.dma_semaphore, #tpu.memory_space<semaphore_mem>>
        %dma_wait3A_570 = arith.constant 512 : i32
        %dma_wait3A_571 = tpu.memref_slice %arg5[%dma_wait3A_570, %mul3A_535] : memref<1024x100000xf32, #tpu.memory_space<any>> -> memref<128x2048xf32, #tpu.memory_space<any>>
        %dma_wait3A_572 = arith.constant 512 : i32
        %dma_wait3A_573 = arith.constant 0 : i32
        %dma_wait3A_574 = tpu.memref_slice %arg9[%rem3A_393, %dma_wait3A_572, %dma_wait3A_573] : memref<3x1024x2048xf32, #tpu.memory_space<vmem>> -> memref<1x128x2048xf32, #tpu.memory_space<vmem>>
        %dma_wait3A_575 = tpu.memref_squeeze %dma_wait3A_574 : memref<1x128x2048xf32, #tpu.memory_space<vmem>> -> memref<128x2048xf32, #tpu.memory_space<vmem>>
        tpu.wait_dma2 semaphore(%dma_wait3A_569 : memref<!tpu.dma_semaphore, #tpu.memory_space<semaphore_mem>>) src(%dma_wait3A_575 : memref<128x2048xf32, #tpu.memory_space<vmem>>) dst(%dma_wait3A_571 : memref<128x2048xf32, #tpu.memory_space<any>>)
        %dma_wait3A_576 = tpu.memref_slice %arg11[%rem3A_393] : memref<3x!tpu.dma_semaphore, #tpu.memory_space<semaphore_mem>> -> memref<1x!tpu.dma_semaphore, #tpu.memory_space<semaphore_mem>>
        %dma_wait3A_577 = tpu.memref_squeeze %dma_wait3A_576 : memref<1x!tpu.dma_semaphore, #tpu.memory_space<semaphore_mem>> -> memref<!tpu.dma_semaphore, #tpu.memory_space<semaphore_mem>>
        %dma_wait3A_578 = arith.constant 640 : i32
        %dma_wait3A_579 = tpu.memref_slice %arg5[%dma_wait3A_578, %mul3A_535] : memref<1024x100000xf32, #tpu.memory_space<any>> -> memref<128x2048xf32, #tpu.memory_space<any>>
        %dma_wait3A_580 = arith.constant 640 : i32
        %dma_wait3A_581 = arith.constant 0 : i32
        %dma_wait3A_582 = tpu.memref_slice %arg9[%rem3A_393, %dma_wait3A_580, %dma_wait3A_581] : memref<3x1024x2048xf32, #tpu.memory_space<vmem>> -> memref<1x128x2048xf32, #tpu.memory_space<vmem>>
        %dma_wait3A_583 = tpu.memref_squeeze %dma_wait3A_582 : memref<1x128x2048xf32, #tpu.memory_space<vmem>> -> memref<128x2048xf32, #tpu.memory_space<vmem>>
        tpu.wait_dma2 semaphore(%dma_wait3A_577 : memref<!tpu.dma_semaphore, #tpu.memory_space<semaphore_mem>>) src(%dma_wait3A_583 : memref<128x2048xf32, #tpu.memory_space<vmem>>) dst(%dma_wait3A_579 : memref<128x2048xf32, #tpu.memory_space<any>>)
        %dma_wait3A_584 = tpu.memref_slice %arg11[%rem3A_393] : memref<3x!tpu.dma_semaphore, #tpu.memory_space<semaphore_mem>> -> memref<1x!tpu.dma_semaphore, #tpu.memory_space<semaphore_mem>>
        %dma_wait3A_585 = tpu.memref_squeeze %dma_wait3A_584 : memref<1x!tpu.dma_semaphore, #tpu.memory_space<semaphore_mem>> -> memref<!tpu.dma_semaphore, #tpu.memory_space<semaphore_mem>>
        %dma_wait3A_586 = arith.constant 768 : i32
        %dma_wait3A_587 = tpu.memref_slice %arg5[%dma_wait3A_586, %mul3A_535] : memref<1024x100000xf32, #tpu.memory_space<any>> -> memref<128x2048xf32, #tpu.memory_space<any>>
        %dma_wait3A_588 = arith.constant 768 : i32
        %dma_wait3A_589 = arith.constant 0 : i32
        %dma_wait3A_590 = tpu.memref_slice %arg9[%rem3A_393, %dma_wait3A_588, %dma_wait3A_589] : memref<3x1024x2048xf32, #tpu.memory_space<vmem>> -> memref<1x128x2048xf32, #tpu.memory_space<vmem>>
        %dma_wait3A_591 = tpu.memref_squeeze %dma_wait3A_590 : memref<1x128x2048xf32, #tpu.memory_space<vmem>> -> memref<128x2048xf32, #tpu.memory_space<vmem>>
        tpu.wait_dma2 semaphore(%dma_wait3A_585 : memref<!tpu.dma_semaphore, #tpu.memory_space<semaphore_mem>>) src(%dma_wait3A_591 : memref<128x2048xf32, #tpu.memory_space<vmem>>) dst(%dma_wait3A_587 : memref<128x2048xf32, #tpu.memory_space<any>>)
        %dma_wait3A_592 = tpu.memref_slice %arg11[%rem3A_393] : memref<3x!tpu.dma_semaphore, #tpu.memory_space<semaphore_mem>> -> memref<1x!tpu.dma_semaphore, #tpu.memory_space<semaphore_mem>>
        %dma_wait3A_593 = tpu.memref_squeeze %dma_wait3A_592 : memref<1x!tpu.dma_semaphore, #tpu.memory_space<semaphore_mem>> -> memref<!tpu.dma_semaphore, #tpu.memory_space<semaphore_mem>>
        %dma_wait3A_594 = arith.constant 896 : i32
        %dma_wait3A_595 = tpu.memref_slice %arg5[%dma_wait3A_594, %mul3A_535] : memref<1024x100000xf32, #tpu.memory_space<any>> -> memref<128x2048xf32, #tpu.memory_space<any>>
        %dma_wait3A_596 = arith.constant 896 : i32
        %dma_wait3A_597 = arith.constant 0 : i32
        %dma_wait3A_598 = tpu.memref_slice %arg9[%rem3A_393, %dma_wait3A_596, %dma_wait3A_597] : memref<3x1024x2048xf32, #tpu.memory_space<vmem>> -> memref<1x128x2048xf32, #tpu.memory_space<vmem>>
        %dma_wait3A_599 = tpu.memref_squeeze %dma_wait3A_598 : memref<1x128x2048xf32, #tpu.memory_space<vmem>> -> memref<128x2048xf32, #tpu.memory_space<vmem>>
        tpu.wait_dma2 semaphore(%dma_wait3A_593 : memref<!tpu.dma_semaphore, #tpu.memory_space<semaphore_mem>>) src(%dma_wait3A_599 : memref<128x2048xf32, #tpu.memory_space<vmem>>) dst(%dma_wait3A_595 : memref<128x2048xf32, #tpu.memory_space<any>>)
      } else {
      }
      %get3A_444 = arith.constant 0 : index
      %get3A_445 = arith.constant 0 : index
      %get3A_446 = vector.load %arg6[%get3A_444, %get3A_445] : memref<1024x512xbf16, #tpu.memory_space<vmem>>, vector<1024x512xbf16>
      %get3A_447 = arith.index_cast %rem3A_393 : i32 to index
      %get3A_448 = arith.constant 0 : index
      %get3A_449 = arith.constant 0 : index
      %get3A_450 = vector.load %arg7[%get3A_447, %get3A_448, %get3A_449] : memref<3x512x2048xf32, #tpu.memory_space<vmem>>, vector<1x512x2048xf32>
      %get3A_451 = vector.shape_cast %get3A_450 : vector<1x512x2048xf32> to vector<512x2048xf32>
      %convert_element_type3A_452 = arith.truncf %get3A_451 : vector<512x2048xf32> to vector<512x2048xbf16>
      %dot_general3A_453 = arith.constant dense<0.000000e+00> : vector<1024x2048xf32>
      %dot_general3A_454 = tpu.matmul %get3A_446, %convert_element_type3A_452, %dot_general3A_453 {dimension_numbers = #tpu.dot_dimension_numbers<[1], [0], [0], [1], [0, 0, 1, 1], [], []>, transpose_lhs_hint = false} : vector<1024x512xbf16>, vector<512x2048xbf16>, vector<1024x2048xf32> -> vector<1024x2048xf32>
      %get3A_455 = arith.index_cast %rem3A_393 : i32 to index
      %get3A_456 = arith.constant 0 : index
      %get3A_457 = arith.constant 0 : index
      %get3A_458 = vector.load %arg8[%get3A_455, %get3A_456, %get3A_457] : memref<3x1x2048xf32, #tpu.memory_space<vmem>>, vector<1x1x2048xf32>
      %get3A_459 = vector.shape_cast %get3A_458 : vector<1x1x2048xf32> to vector<1x2048xf32>
      %add3A_460 = vector.broadcast %get3A_459 : vector<1x2048xf32> to vector<1024x2048xf32>
      %add3A_461 = arith.addf %dot_general3A_454, %add3A_460 : vector<1024x2048xf32>
      %swap3A_462 = arith.index_cast %rem3A_393 : i32 to index
      %swap3A_463 = arith.constant 0 : index
      %swap3A_464 = arith.constant 0 : index
      %swap3A_465 = vector.load %arg9[%swap3A_462, %swap3A_463, %swap3A_464] : memref<3x1024x2048xf32, #tpu.memory_space<vmem>>, vector<1x1024x2048xf32>
      %swap3A_466 = vector.shape_cast %swap3A_465 : vector<1x1024x2048xf32> to vector<1024x2048xf32>
      %swap3A_467 = vector.shape_cast %add3A_461 : vector<1024x2048xf32> to vector<1x1024x2048xf32>
      tpu.vector_store %arg9[%swap3A_462, %swap3A_463, %swap3A_464], %swap3A_467 {strides = array<i32>} : memref<3x1024x2048xf32, #tpu.memory_space<vmem>>, vector<1x1024x2048xf32>,
      %mul3A_468 = arith.constant 2048 : i32
      %mul3A_469 = arith.muli %scan3A_392, %mul3A_468 : i32
      %dma_start3A_470 = tpu.memref_slice %arg11[%rem3A_393] : memref<3x!tpu.dma_semaphore, #tpu.memory_space<semaphore_mem>> -> memref<1x!tpu.dma_semaphore, #tpu.memory_space<semaphore_mem>>
      %dma_start3A_471 = tpu.memref_squeeze %dma_start3A_470 : memref<1x!tpu.dma_semaphore, #tpu.memory_space<semaphore_mem>> -> memref<!tpu.dma_semaphore, #tpu.memory_space<semaphore_mem>>
      %dma_start3A_472 = arith.constant 0 : i32
      %dma_start3A_473 = tpu.memref_slice %arg5[%dma_start3A_472, %mul3A_469] : memref<1024x100000xf32, #tpu.memory_space<any>> -> memref<128x2048xf32, #tpu.memory_space<any>>
      %dma_start3A_474 = arith.constant 0 : i32
      %dma_start3A_475 = arith.constant 0 : i32
      %dma_start3A_476 = tpu.memref_slice %arg9[%rem3A_393, %dma_start3A_474, %dma_start3A_475] : memref<3x1024x2048xf32, #tpu.memory_space<vmem>> -> memref<1x128x2048xf32, #tpu.memory_space<vmem>>
      %dma_start3A_477 = tpu.memref_squeeze %dma_start3A_476 : memref<1x128x2048xf32, #tpu.memory_space<vmem>> -> memref<128x2048xf32, #tpu.memory_space<vmem>>
      tpu.enqueue_dma source(%dma_start3A_477 : memref<128x2048xf32, #tpu.memory_space<vmem>>) target(%dma_start3A_473 : memref<128x2048xf32, #tpu.memory_space<any>>) target_semaphore(%dma_start3A_471 : memref<!tpu.dma_semaphore, #tpu.memory_space<semaphore_mem>>)
      %dma_start3A_478 = tpu.memref_slice %arg11[%rem3A_393] : memref<3x!tpu.dma_semaphore, #tpu.memory_space<semaphore_mem>> -> memref<1x!tpu.dma_semaphore, #tpu.memory_space<semaphore_mem>>
      %dma_start3A_479 = tpu.memref_squeeze %dma_start3A_478 : memref<1x!tpu.dma_semaphore, #tpu.memory_space<semaphore_mem>> -> memref<!tpu.dma_semaphore, #tpu.memory_space<semaphore_mem>>
      %dma_start3A_480 = arith.constant 128 : i32
      %dma_start3A_481 = tpu.memref_slice %arg5[%dma_start3A_480, %mul3A_469] : memref<1024x100000xf32, #tpu.memory_space<any>> -> memref<128x2048xf32, #tpu.memory_space<any>>
      %dma_start3A_482 = arith.constant 128 : i32
      %dma_start3A_483 = arith.constant 0 : i32
      %dma_start3A_484 = tpu.memref_slice %arg9[%rem3A_393, %dma_start3A_482, %dma_start3A_483] : memref<3x1024x2048xf32, #tpu.memory_space<vmem>> -> memref<1x128x2048xf32, #tpu.memory_space<vmem>>
      %dma_start3A_485 = tpu.memref_squeeze %dma_start3A_484 : memref<1x128x2048xf32, #tpu.memory_space<vmem>> -> memref<128x2048xf32, #tpu.memory_space<vmem>>
      tpu.enqueue_dma source(%dma_start3A_485 : memref<128x2048xf32, #tpu.memory_space<vmem>>) target(%dma_start3A_481 : memref<128x2048xf32, #tpu.memory_space<any>>) target_semaphore(%dma_start3A_479 : memref<!tpu.dma_semaphore, #tpu.memory_space<semaphore_mem>>) {priority = 1 : i32}
      %dma_start3A_486 = tpu.memref_slice %arg11[%rem3A_393] : memref<3x!tpu.dma_semaphore, #tpu.memory_space<semaphore_mem>> -> memref<1x!tpu.dma_semaphore, #tpu.memory_space<semaphore_mem>>
      %dma_start3A_487 = tpu.memref_squeeze %dma_start3A_486 : memref<1x!tpu.dma_semaphore, #tpu.memory_space<semaphore_mem>> -> memref<!tpu.dma_semaphore, #tpu.memory_space<semaphore_mem>>
      %dma_start3A_488 = arith.constant 256 : i32
      %dma_start3A_489 = tpu.memref_slice %arg5[%dma_start3A_488, %mul3A_469] : memref<1024x100000xf32, #tpu.memory_space<any>> -> memref<128x2048xf32, #tpu.memory_space<any>>
      %dma_start3A_490 = arith.constant 256 : i32
      %dma_start3A_491 = arith.constant 0 : i32
      %dma_start3A_492 = tpu.memref_slice %arg9[%rem3A_393, %dma_start3A_490, %dma_start3A_491] : memref<3x1024x2048xf32, #tpu.memory_space<vmem>> -> memref<1x128x2048xf32, #tpu.memory_space<vmem>>
      %dma_start3A_493 = tpu.memref_squeeze %dma_start3A_492 : memref<1x128x2048xf32, #tpu.memory_space<vmem>> -> memref<128x2048xf32, #tpu.memory_space<vmem>>
      tpu.enqueue_dma source(%dma_start3A_493 : memref<128x2048xf32, #tpu.memory_space<vmem>>) target(%dma_start3A_489 : memref<128x2048xf32, #tpu.memory_space<any>>) target_semaphore(%dma_start3A_487 : memref<!tpu.dma_semaphore, #tpu.memory_space<semaphore_mem>>)
      %dma_start3A_494 = tpu.memref_slice %arg11[%rem3A_393] : memref<3x!tpu.dma_semaphore, #tpu.memory_space<semaphore_mem>> -> memref<1x!tpu.dma_semaphore, #tpu.memory_space<semaphore_mem>>
      %dma_start3A_495 = tpu.memref_squeeze %dma_start3A_494 : memref<1x!tpu.dma_semaphore, #tpu.memory_space<semaphore_mem>> -> memref<!tpu.dma_semaphore, #tpu.memory_space<semaphore_mem>>
      %dma_start3A_496 = arith.constant 384 : i32
      %dma_start3A_497 = tpu.memref_slice %arg5[%dma_start3A_496, %mul3A_469] : memref<1024x100000xf32, #tpu.memory_space<any>> -> memref<128x2048xf32, #tpu.memory_space<any>>
      %dma_start3A_498 = arith.constant 384 : i32
      %dma_start3A_499 = arith.constant 0 : i32
      %dma_start3A_500 = tpu.memref_slice %arg9[%rem3A_393, %dma_start3A_498, %dma_start3A_499] : memref<3x1024x2048xf32, #tpu.memory_space<vmem>> -> memref<1x128x2048xf32, #tpu.memory_space<vmem>>
      %dma_start3A_501 = tpu.memref_squeeze %dma_start3A_500 : memref<1x128x2048xf32, #tpu.memory_space<vmem>> -> memref<128x2048xf32, #tpu.memory_space<vmem>>
      tpu.enqueue_dma source(%dma_start3A_501 : memref<128x2048xf32, #tpu.memory_space<vmem>>) target(%dma_start3A_497 : memref<128x2048xf32, #tpu.memory_space<any>>) target_semaphore(%dma_start3A_495 : memref<!tpu.dma_semaphore, #tpu.memory_space<semaphore_mem>>) {priority = 1 : i32}
      %dma_start3A_502 = tpu.memref_slice %arg11[%rem3A_393] : memref<3x!tpu.dma_semaphore, #tpu.memory_space<semaphore_mem>> -> memref<1x!tpu.dma_semaphore, #tpu.memory_space<semaphore_mem>>
      %dma_start3A_503 = tpu.memref_squeeze %dma_start3A_502 : memref<1x!tpu.dma_semaphore, #tpu.memory_space<semaphore_mem>> -> memref<!tpu.dma_semaphore, #tpu.memory_space<semaphore_mem>>
      %dma_start3A_504 = arith.constant 512 : i32
      %dma_start3A_505 = tpu.memref_slice %arg5[%dma_start3A_504, %mul3A_469] : memref<1024x100000xf32, #tpu.memory_space<any>> -> memref<128x2048xf32, #tpu.memory_space<any>>
      %dma_start3A_506 = arith.constant 512 : i32
      %dma_start3A_507 = arith.constant 0 : i32
      %dma_start3A_508 = tpu.memref_slice %arg9[%rem3A_393, %dma_start3A_506, %dma_start3A_507] : memref<3x1024x2048xf32, #tpu.memory_space<vmem>> -> memref<1x128x2048xf32, #tpu.memory_space<vmem>>
      %dma_start3A_509 = tpu.memref_squeeze %dma_start3A_508 : memref<1x128x2048xf32, #tpu.memory_space<vmem>> -> memref<128x2048xf32, #tpu.memory_space<vmem>>
      tpu.enqueue_dma source(%dma_start3A_509 : memref<128x2048xf32, #tpu.memory_space<vmem>>) target(%dma_start3A_505 : memref<128x2048xf32, #tpu.memory_space<any>>) target_semaphore(%dma_start3A_503 : memref<!tpu.dma_semaphore, #tpu.memory_space<semaphore_mem>>)
      %dma_start3A_510 = tpu.memref_slice %arg11[%rem3A_393] : memref<3x!tpu.dma_semaphore, #tpu.memory_space<semaphore_mem>> -> memref<1x!tpu.dma_semaphore, #tpu.memory_space<semaphore_mem>>
      %dma_start3A_511 = tpu.memref_squeeze %dma_start3A_510 : memref<1x!tpu.dma_semaphore, #tpu.memory_space<semaphore_mem>> -> memref<!tpu.dma_semaphore, #tpu.memory_space<semaphore_mem>>
      %dma_start3A_512 = arith.constant 640 : i32
      %dma_start3A_513 = tpu.memref_slice %arg5[%dma_start3A_512, %mul3A_469] : memref<1024x100000xf32, #tpu.memory_space<any>> -> memref<128x2048xf32, #tpu.memory_space<any>>
      %dma_start3A_514 = arith.constant 640 : i32
      %dma_start3A_515 = arith.constant 0 : i32
      %dma_start3A_516 = tpu.memref_slice %arg9[%rem3A_393, %dma_start3A_514, %dma_start3A_515] : memref<3x1024x2048xf32, #tpu.memory_space<vmem>> -> memref<1x128x2048xf32, #tpu.memory_space<vmem>>
      %dma_start3A_517 = tpu.memref_squeeze %dma_start3A_516 : memref<1x128x2048xf32, #tpu.memory_space<vmem>> -> memref<128x2048xf32, #tpu.memory_space<vmem>>
      tpu.enqueue_dma source(%dma_start3A_517 : memref<128x2048xf32, #tpu.memory_space<vmem>>) target(%dma_start3A_513 : memref<128x2048xf32, #tpu.memory_space<any>>) target_semaphore(%dma_start3A_511 : memref<!tpu.dma_semaphore, #tpu.memory_space<semaphore_mem>>) {priority = 1 : i32}
      %dma_start3A_518 = tpu.memref_slice %arg11[%rem3A_393] : memref<3x!tpu.dma_semaphore, #tpu.memory_space<semaphore_mem>> -> memref<1x!tpu.dma_semaphore, #tpu.memory_space<semaphore_mem>>
      %dma_start3A_519 = tpu.memref_squeeze %dma_start3A_518 : memref<1x!tpu.dma_semaphore, #tpu.memory_space<semaphore_mem>> -> memref<!tpu.dma_semaphore, #tpu.memory_space<semaphore_mem>>
      %dma_start3A_520 = arith.constant 768 : i32
      %dma_start3A_521 = tpu.memref_slice %arg5[%dma_start3A_520, %mul3A_469] : memref<1024x100000xf32, #tpu.memory_space<any>> -> memref<128x2048xf32, #tpu.memory_space<any>>
      %dma_start3A_522 = arith.constant 768 : i32
      %dma_start3A_523 = arith.constant 0 : i32
      %dma_start3A_524 = tpu.memref_slice %arg9[%rem3A_393, %dma_start3A_522, %dma_start3A_523] : memref<3x1024x2048xf32, #tpu.memory_space<vmem>> -> memref<1x128x2048xf32, #tpu.memory_space<vmem>>
      %dma_start3A_525 = tpu.memref_squeeze %dma_start3A_524 : memref<1x128x2048xf32, #tpu.memory_space<vmem>> -> memref<128x2048xf32, #tpu.memory_space<vmem>>
      tpu.enqueue_dma source(%dma_start3A_525 : memref<128x2048xf32, #tpu.memory_space<vmem>>) target(%dma_start3A_521 : memref<128x2048xf32, #tpu.memory_space<any>>) target_semaphore(%dma_start3A_519 : memref<!tpu.dma_semaphore, #tpu.memory_space<semaphore_mem>>)
      %dma_start3A_526 = tpu.memref_slice %arg11[%rem3A_393] : memref<3x!tpu.dma_semaphore, #tpu.memory_space<semaphore_mem>> -> memref<1x!tpu.dma_semaphore, #tpu.memory_space<semaphore_mem>>
      %dma_start3A_527 = tpu.memref_squeeze %dma_start3A_526 : memref<1x!tpu.dma_semaphore, #tpu.memory_space<semaphore_mem>> -> memref<!tpu.dma_semaphore, #tpu.memory_space<semaphore_mem>>
      %dma_start3A_528 = arith.constant 896 : i32
      %dma_start3A_529 = tpu.memref_slice %arg5[%dma_start3A_528, %mul3A_469] : memref<1024x100000xf32, #tpu.memory_space<any>> -> memref<128x2048xf32, #tpu.memory_space<any>>
      %dma_start3A_530 = arith.constant 896 : i32
      %dma_start3A_531 = arith.constant 0 : i32
      %dma_start3A_532 = tpu.memref_slice %arg9[%rem3A_393, %dma_start3A_530, %dma_start3A_531] : memref<3x1024x2048xf32, #tpu.memory_space<vmem>> -> memref<1x128x2048xf32, #tpu.memory_space<vmem>>
      %dma_start3A_533 = tpu.memref_squeeze %dma_start3A_532 : memref<1x128x2048xf32, #tpu.memory_space<vmem>> -> memref<128x2048xf32, #tpu.memory_space<vmem>>
      tpu.enqueue_dma source(%dma_start3A_533 : memref<128x2048xf32, #tpu.memory_space<vmem>>) target(%dma_start3A_529 : memref<128x2048xf32, #tpu.memory_space<any>>) target_semaphore(%dma_start3A_527 : memref<!tpu.dma_semaphore, #tpu.memory_space<semaphore_mem>>) {priority = 1 : i32}
    }
    %scan3A_128 = arith.constant 48 : i32
    %dma_wait3A = arith.constant 0 : i32
    %dma_wait3A_129 = arith.constant 0 : i32
    %dma_wait3A_130 = tpu.memref_slice %arg11[%dma_wait3A_129] : memref<3x!tpu.dma_semaphore, #tpu.memory_space<semaphore_mem>> -> memref<1x!tpu.dma_semaphore, #tpu.memory_space<semaphore_mem>>
    %dma_wait3A_131 = tpu.memref_squeeze %dma_wait3A_130 : memref<1x!tpu.dma_semaphore, #tpu.memory_space<semaphore_mem>> -> memref<!tpu.dma_semaphore, #tpu.memory_space<semaphore_mem>>
    %dma_wait3A_132 = arith.constant 0 : i32
    %dma_wait3A_133 = arith.constant 92160 : i32
    %dma_wait3A_134 = tpu.memref_slice %arg5[%dma_wait3A_132, %dma_wait3A_133] : memref<1024x100000xf32, #tpu.memory_space<any>> -> memref<128x2048xf32, #tpu.memory_space<any>>
    %dma_wait3A_135 = arith.constant 0 : i32
    %dma_wait3A_136 = arith.constant 0 : i32
    %dma_wait3A_137 = tpu.memref_slice %arg9[%dma_wait3A, %dma_wait3A_135, %dma_wait3A_136] : memref<3x1024x2048xf32, #tpu.memory_space<vmem>> -> memref<1x128x2048xf32, #tpu.memory_space<vmem>>
    %dma_wait3A_138 = tpu.memref_squeeze %dma_wait3A_137 : memref<1x128x2048xf32, #tpu.memory_space<vmem>> -> memref<128x2048xf32, #tpu.memory_space<vmem>>
    tpu.wait_dma2 semaphore(%dma_wait3A_131 : memref<!tpu.dma_semaphore, #tpu.memory_space<semaphore_mem>>) src(%dma_wait3A_138 : memref<128x2048xf32, #tpu.memory_space<vmem>>) dst(%dma_wait3A_134 : memref<128x2048xf32, #tpu.memory_space<any>>)
    %dma_wait3A_139 = arith.constant 0 : i32
    %dma_wait3A_140 = arith.constant 0 : i32
    %dma_wait3A_141 = tpu.memref_slice %arg11[%dma_wait3A_140] : memref<3x!tpu.dma_semaphore, #tpu.memory_space<semaphore_mem>> -> memref<1x!tpu.dma_semaphore, #tpu.memory_space<semaphore_mem>>
    %dma_wait3A_142 = tpu.memref_squeeze %dma_wait3A_141 : memref<1x!tpu.dma_semaphore, #tpu.memory_space<semaphore_mem>> -> memref<!tpu.dma_semaphore, #tpu.memory_space<semaphore_mem>>
    %dma_wait3A_143 = arith.constant 128 : i32
    %dma_wait3A_144 = arith.constant 92160 : i32
    %dma_wait3A_145 = tpu.memref_slice %arg5[%dma_wait3A_143, %dma_wait3A_144] : memref<1024x100000xf32, #tpu.memory_space<any>> -> memref<128x2048xf32, #tpu.memory_space<any>>
    %dma_wait3A_146 = arith.constant 128 : i32
    %dma_wait3A_147 = arith.constant 0 : i32
    %dma_wait3A_148 = tpu.memref_slice %arg9[%dma_wait3A_139, %dma_wait3A_146, %dma_wait3A_147] : memref<3x1024x2048xf32, #tpu.memory_space<vmem>> -> memref<1x128x2048xf32, #tpu.memory_space<vmem>>
    %dma_wait3A_149 = tpu.memref_squeeze %dma_wait3A_148 : memref<1x128x2048xf32, #tpu.memory_space<vmem>> -> memref<128x2048xf32, #tpu.memory_space<vmem>>
    tpu.wait_dma2 semaphore(%dma_wait3A_142 : memref<!tpu.dma_semaphore, #tpu.memory_space<semaphore_mem>>) src(%dma_wait3A_149 : memref<128x2048xf32, #tpu.memory_space<vmem>>) dst(%dma_wait3A_145 : memref<128x2048xf32, #tpu.memory_space<any>>)
    %dma_wait3A_150 = arith.constant 0 : i32
    %dma_wait3A_151 = arith.constant 0 : i32
    %dma_wait3A_152 = tpu.memref_slice %arg11[%dma_wait3A_151] : memref<3x!tpu.dma_semaphore, #tpu.memory_space<semaphore_mem>> -> memref<1x!tpu.dma_semaphore, #tpu.memory_space<semaphore_mem>>
    %dma_wait3A_153 = tpu.memref_squeeze %dma_wait3A_152 : memref<1x!tpu.dma_semaphore, #tpu.memory_space<semaphore_mem>> -> memref<!tpu.dma_semaphore, #tpu.memory_space<semaphore_mem>>
    %dma_wait3A_154 = arith.constant 256 : i32
    %dma_wait3A_155 = arith.constant 92160 : i32
    %dma_wait3A_156 = tpu.memref_slice %arg5[%dma_wait3A_154, %dma_wait3A_155] : memref<1024x100000xf32, #tpu.memory_space<any>> -> memref<128x2048xf32, #tpu.memory_space<any>>
    %dma_wait3A_157 = arith.constant 256 : i32
    %dma_wait3A_158 = arith.constant 0 : i32
    %dma_wait3A_159 = tpu.memref_slice %arg9[%dma_wait3A_150, %dma_wait3A_157, %dma_wait3A_158] : memref<3x1024x2048xf32, #tpu.memory_space<vmem>> -> memref<1x128x2048xf32, #tpu.memory_space<vmem>>
    %dma_wait3A_160 = tpu.memref_squeeze %dma_wait3A_159 : memref<1x128x2048xf32, #tpu.memory_space<vmem>> -> memref<128x2048xf32, #tpu.memory_space<vmem>>
    tpu.wait_dma2 semaphore(%dma_wait3A_153 : memref<!tpu.dma_semaphore, #tpu.memory_space<semaphore_mem>>) src(%dma_wait3A_160 : memref<128x2048xf32, #tpu.memory_space<vmem>>) dst(%dma_wait3A_156 : memref<128x2048xf32, #tpu.memory_space<any>>)
    %dma_wait3A_161 = arith.constant 0 : i32
    %dma_wait3A_162 = arith.constant 0 : i32
    %dma_wait3A_163 = tpu.memref_slice %arg11[%dma_wait3A_162] : memref<3x!tpu.dma_semaphore, #tpu.memory_space<semaphore_mem>> -> memref<1x!tpu.dma_semaphore, #tpu.memory_space<semaphore_mem>>
    %dma_wait3A_164 = tpu.memref_squeeze %dma_wait3A_163 : memref<1x!tpu.dma_semaphore, #tpu.memory_space<semaphore_mem>> -> memref<!tpu.dma_semaphore, #tpu.memory_space<semaphore_mem>>
    %dma_wait3A_165 = arith.constant 384 : i32
    %dma_wait3A_166 = arith.constant 92160 : i32
    %dma_wait3A_167 = tpu.memref_slice %arg5[%dma_wait3A_165, %dma_wait3A_166] : memref<1024x100000xf32, #tpu.memory_space<any>> -> memref<128x2048xf32, #tpu.memory_space<any>>
    %dma_wait3A_168 = arith.constant 384 : i32
    %dma_wait3A_169 = arith.constant 0 : i32
    %dma_wait3A_170 = tpu.memref_slice %arg9[%dma_wait3A_161, %dma_wait3A_168, %dma_wait3A_169] : memref<3x1024x2048xf32, #tpu.memory_space<vmem>> -> memref<1x128x2048xf32, #tpu.memory_space<vmem>>
    %dma_wait3A_171 = tpu.memref_squeeze %dma_wait3A_170 : memref<1x128x2048xf32, #tpu.memory_space<vmem>> -> memref<128x2048xf32, #tpu.memory_space<vmem>>
    tpu.wait_dma2 semaphore(%dma_wait3A_164 : memref<!tpu.dma_semaphore, #tpu.memory_space<semaphore_mem>>) src(%dma_wait3A_171 : memref<128x2048xf32, #tpu.memory_space<vmem>>) dst(%dma_wait3A_167 : memref<128x2048xf32, #tpu.memory_space<any>>)
    %dma_wait3A_172 = arith.constant 0 : i32
    %dma_wait3A_173 = arith.constant 0 : i32
    %dma_wait3A_174 = tpu.memref_slice %arg11[%dma_wait3A_173] : memref<3x!tpu.dma_semaphore, #tpu.memory_space<semaphore_mem>> -> memref<1x!tpu.dma_semaphore, #tpu.memory_space<semaphore_mem>>
    %dma_wait3A_175 = tpu.memref_squeeze %dma_wait3A_174 : memref<1x!tpu.dma_semaphore, #tpu.memory_space<semaphore_mem>> -> memref<!tpu.dma_semaphore, #tpu.memory_space<semaphore_mem>>
    %dma_wait3A_176 = arith.constant 512 : i32
    %dma_wait3A_177 = arith.constant 92160 : i32
    %dma_wait3A_178 = tpu.memref_slice %arg5[%dma_wait3A_176, %dma_wait3A_177] : memref<1024x100000xf32, #tpu.memory_space<any>> -> memref<128x2048xf32, #tpu.memory_space<any>>
    %dma_wait3A_179 = arith.constant 512 : i32
    %dma_wait3A_180 = arith.constant 0 : i32
    %dma_wait3A_181 = tpu.memref_slice %arg9[%dma_wait3A_172, %dma_wait3A_179, %dma_wait3A_180] : memref<3x1024x2048xf32, #tpu.memory_space<vmem>> -> memref<1x128x2048xf32, #tpu.memory_space<vmem>>
    %dma_wait3A_182 = tpu.memref_squeeze %dma_wait3A_181 : memref<1x128x2048xf32, #tpu.memory_space<vmem>> -> memref<128x2048xf32, #tpu.memory_space<vmem>>
    tpu.wait_dma2 semaphore(%dma_wait3A_175 : memref<!tpu.dma_semaphore, #tpu.memory_space<semaphore_mem>>) src(%dma_wait3A_182 : memref<128x2048xf32, #tpu.memory_space<vmem>>) dst(%dma_wait3A_178 : memref<128x2048xf32, #tpu.memory_space<any>>)
    %dma_wait3A_183 = arith.constant 0 : i32
    %dma_wait3A_184 = arith.constant 0 : i32
    %dma_wait3A_185 = tpu.memref_slice %arg11[%dma_wait3A_184] : memref<3x!tpu.dma_semaphore, #tpu.memory_space<semaphore_mem>> -> memref<1x!tpu.dma_semaphore, #tpu.memory_space<semaphore_mem>>
    %dma_wait3A_186 = tpu.memref_squeeze %dma_wait3A_185 : memref<1x!tpu.dma_semaphore, #tpu.memory_space<semaphore_mem>> -> memref<!tpu.dma_semaphore, #tpu.memory_space<semaphore_mem>>
    %dma_wait3A_187 = arith.constant 640 : i32
    %dma_wait3A_188 = arith.constant 92160 : i32
    %dma_wait3A_189 = tpu.memref_slice %arg5[%dma_wait3A_187, %dma_wait3A_188] : memref<1024x100000xf32, #tpu.memory_space<any>> -> memref<128x2048xf32, #tpu.memory_space<any>>
    %dma_wait3A_190 = arith.constant 640 : i32
    %dma_wait3A_191 = arith.constant 0 : i32
    %dma_wait3A_192 = tpu.memref_slice %arg9[%dma_wait3A_183, %dma_wait3A_190, %dma_wait3A_191] : memref<3x1024x2048xf32, #tpu.memory_space<vmem>> -> memref<1x128x2048xf32, #tpu.memory_space<vmem>>
    %dma_wait3A_193 = tpu.memref_squeeze %dma_wait3A_192 : memref<1x128x2048xf32, #tpu.memory_space<vmem>> -> memref<128x2048xf32, #tpu.memory_space<vmem>>
    tpu.wait_dma2 semaphore(%dma_wait3A_186 : memref<!tpu.dma_semaphore, #tpu.memory_space<semaphore_mem>>) src(%dma_wait3A_193 : memref<128x2048xf32, #tpu.memory_space<vmem>>) dst(%dma_wait3A_189 : memref<128x2048xf32, #tpu.memory_space<any>>)
    %dma_wait3A_194 = arith.constant 0 : i32
    %dma_wait3A_195 = arith.constant 0 : i32
    %dma_wait3A_196 = tpu.memref_slice %arg11[%dma_wait3A_195] : memref<3x!tpu.dma_semaphore, #tpu.memory_space<semaphore_mem>> -> memref<1x!tpu.dma_semaphore, #tpu.memory_space<semaphore_mem>>
    %dma_wait3A_197 = tpu.memref_squeeze %dma_wait3A_196 : memref<1x!tpu.dma_semaphore, #tpu.memory_space<semaphore_mem>> -> memref<!tpu.dma_semaphore, #tpu.memory_space<semaphore_mem>>
    %dma_wait3A_198 = arith.constant 768 : i32
    %dma_wait3A_199 = arith.constant 92160 : i32
    %dma_wait3A_200 = tpu.memref_slice %arg5[%dma_wait3A_198, %dma_wait3A_199] : memref<1024x100000xf32, #tpu.memory_space<any>> -> memref<128x2048xf32, #tpu.memory_space<any>>
    %dma_wait3A_201 = arith.constant 768 : i32
    %dma_wait3A_202 = arith.constant 0 : i32
    %dma_wait3A_203 = tpu.memref_slice %arg9[%dma_wait3A_194, %dma_wait3A_201, %dma_wait3A_202] : memref<3x1024x2048xf32, #tpu.memory_space<vmem>> -> memref<1x128x2048xf32, #tpu.memory_space<vmem>>
    %dma_wait3A_204 = tpu.memref_squeeze %dma_wait3A_203 : memref<1x128x2048xf32, #tpu.memory_space<vmem>> -> memref<128x2048xf32, #tpu.memory_space<vmem>>
    tpu.wait_dma2 semaphore(%dma_wait3A_197 : memref<!tpu.dma_semaphore, #tpu.memory_space<semaphore_mem>>) src(%dma_wait3A_204 : memref<128x2048xf32, #tpu.memory_space<vmem>>) dst(%dma_wait3A_200 : memref<128x2048xf32, #tpu.memory_space<any>>)
    %dma_wait3A_205 = arith.constant 0 : i32
    %dma_wait3A_206 = arith.constant 0 : i32
    %dma_wait3A_207 = tpu.memref_slice %arg11[%dma_wait3A_206] : memref<3x!tpu.dma_semaphore, #tpu.memory_space<semaphore_mem>> -> memref<1x!tpu.dma_semaphore, #tpu.memory_space<semaphore_mem>>
    %dma_wait3A_208 = tpu.memref_squeeze %dma_wait3A_207 : memref<1x!tpu.dma_semaphore, #tpu.memory_space<semaphore_mem>> -> memref<!tpu.dma_semaphore, #tpu.memory_space<semaphore_mem>>
    %dma_wait3A_209 = arith.constant 896 : i32
    %dma_wait3A_210 = arith.constant 92160 : i32
    %dma_wait3A_211 = tpu.memref_slice %arg5[%dma_wait3A_209, %dma_wait3A_210] : memref<1024x100000xf32, #tpu.memory_space<any>> -> memref<128x2048xf32, #tpu.memory_space<any>>
    %dma_wait3A_212 = arith.constant 896 : i32
    %dma_wait3A_213 = arith.constant 0 : i32
    %dma_wait3A_214 = tpu.memref_slice %arg9[%dma_wait3A_205, %dma_wait3A_212, %dma_wait3A_213] : memref<3x1024x2048xf32, #tpu.memory_space<vmem>> -> memref<1x128x2048xf32, #tpu.memory_space<vmem>>
    %dma_wait3A_215 = tpu.memref_squeeze %dma_wait3A_214 : memref<1x128x2048xf32, #tpu.memory_space<vmem>> -> memref<128x2048xf32, #tpu.memory_space<vmem>>
    tpu.wait_dma2 semaphore(%dma_wait3A_208 : memref<!tpu.dma_semaphore, #tpu.memory_space<semaphore_mem>>) src(%dma_wait3A_215 : memref<128x2048xf32, #tpu.memory_space<vmem>>) dst(%dma_wait3A_211 : memref<128x2048xf32, #tpu.memory_space<any>>)
    %dma_wait3A_216 = arith.constant 1 : i32
    %dma_wait3A_217 = arith.constant 1 : i32
    %dma_wait3A_218 = tpu.memref_slice %arg11[%dma_wait3A_217] : memref<3x!tpu.dma_semaphore, #tpu.memory_space<semaphore_mem>> -> memref<1x!tpu.dma_semaphore, #tpu.memory_space<semaphore_mem>>
    %dma_wait3A_219 = tpu.memref_squeeze %dma_wait3A_218 : memref<1x!tpu.dma_semaphore, #tpu.memory_space<semaphore_mem>> -> memref<!tpu.dma_semaphore, #tpu.memory_space<semaphore_mem>>
    %dma_wait3A_220 = arith.constant 0 : i32
    %dma_wait3A_221 = arith.constant 94208 : i32
    %dma_wait3A_222 = tpu.memref_slice %arg5[%dma_wait3A_220, %dma_wait3A_221] : memref<1024x100000xf32, #tpu.memory_space<any>> -> memref<128x2048xf32, #tpu.memory_space<any>>
    %dma_wait3A_223 = arith.constant 0 : i32
    %dma_wait3A_224 = arith.constant 0 : i32
    %dma_wait3A_225 = tpu.memref_slice %arg9[%dma_wait3A_216, %dma_wait3A_223, %dma_wait3A_224] : memref<3x1024x2048xf32, #tpu.memory_space<vmem>> -> memref<1x128x2048xf32, #tpu.memory_space<vmem>>
    %dma_wait3A_226 = tpu.memref_squeeze %dma_wait3A_225 : memref<1x128x2048xf32, #tpu.memory_space<vmem>> -> memref<128x2048xf32, #tpu.memory_space<vmem>>
    tpu.wait_dma2 semaphore(%dma_wait3A_219 : memref<!tpu.dma_semaphore, #tpu.memory_space<semaphore_mem>>) src(%dma_wait3A_226 : memref<128x2048xf32, #tpu.memory_space<vmem>>) dst(%dma_wait3A_222 : memref<128x2048xf32, #tpu.memory_space<any>>)
    %dma_wait3A_227 = arith.constant 1 : i32
    %dma_wait3A_228 = arith.constant 1 : i32
    %dma_wait3A_229 = tpu.memref_slice %arg11[%dma_wait3A_228] : memref<3x!tpu.dma_semaphore, #tpu.memory_space<semaphore_mem>> -> memref<1x!tpu.dma_semaphore, #tpu.memory_space<semaphore_mem>>
    %dma_wait3A_230 = tpu.memref_squeeze %dma_wait3A_229 : memref<1x!tpu.dma_semaphore, #tpu.memory_space<semaphore_mem>> -> memref<!tpu.dma_semaphore, #tpu.memory_space<semaphore_mem>>
    %dma_wait3A_231 = arith.constant 128 : i32
    %dma_wait3A_232 = arith.constant 94208 : i32
    %dma_wait3A_233 = tpu.memref_slice %arg5[%dma_wait3A_231, %dma_wait3A_232] : memref<1024x100000xf32, #tpu.memory_space<any>> -> memref<128x2048xf32, #tpu.memory_space<any>>
    %dma_wait3A_234 = arith.constant 128 : i32
    %dma_wait3A_235 = arith.constant 0 : i32
    %dma_wait3A_236 = tpu.memref_slice %arg9[%dma_wait3A_227, %dma_wait3A_234, %dma_wait3A_235] : memref<3x1024x2048xf32, #tpu.memory_space<vmem>> -> memref<1x128x2048xf32, #tpu.memory_space<vmem>>
    %dma_wait3A_237 = tpu.memref_squeeze %dma_wait3A_236 : memref<1x128x2048xf32, #tpu.memory_space<vmem>> -> memref<128x2048xf32, #tpu.memory_space<vmem>>
    tpu.wait_dma2 semaphore(%dma_wait3A_230 : memref<!tpu.dma_semaphore, #tpu.memory_space<semaphore_mem>>) src(%dma_wait3A_237 : memref<128x2048xf32, #tpu.memory_space<vmem>>) dst(%dma_wait3A_233 : memref<128x2048xf32, #tpu.memory_space<any>>)
    %dma_wait3A_238 = arith.constant 1 : i32
    %dma_wait3A_239 = arith.constant 1 : i32
    %dma_wait3A_240 = tpu.memref_slice %arg11[%dma_wait3A_239] : memref<3x!tpu.dma_semaphore, #tpu.memory_space<semaphore_mem>> -> memref<1x!tpu.dma_semaphore, #tpu.memory_space<semaphore_mem>>
    %dma_wait3A_241 = tpu.memref_squeeze %dma_wait3A_240 : memref<1x!tpu.dma_semaphore, #tpu.memory_space<semaphore_mem>> -> memref<!tpu.dma_semaphore, #tpu.memory_space<semaphore_mem>>
    %dma_wait3A_242 = arith.constant 256 : i32
    %dma_wait3A_243 = arith.constant 94208 : i32
    %dma_wait3A_244 = tpu.memref_slice %arg5[%dma_wait3A_242, %dma_wait3A_243] : memref<1024x100000xf32, #tpu.memory_space<any>> -> memref<128x2048xf32, #tpu.memory_space<any>>
    %dma_wait3A_245 = arith.constant 256 : i32
    %dma_wait3A_246 = arith.constant 0 : i32
    %dma_wait3A_247 = tpu.memref_slice %arg9[%dma_wait3A_238, %dma_wait3A_245, %dma_wait3A_246] : memref<3x1024x2048xf32, #tpu.memory_space<vmem>> -> memref<1x128x2048xf32, #tpu.memory_space<vmem>>
    %dma_wait3A_248 = tpu.memref_squeeze %dma_wait3A_247 : memref<1x128x2048xf32, #tpu.memory_space<vmem>> -> memref<128x2048xf32, #tpu.memory_space<vmem>>
    tpu.wait_dma2 semaphore(%dma_wait3A_241 : memref<!tpu.dma_semaphore, #tpu.memory_space<semaphore_mem>>) src(%dma_wait3A_248 : memref<128x2048xf32, #tpu.memory_space<vmem>>) dst(%dma_wait3A_244 : memref<128x2048xf32, #tpu.memory_space<any>>)
    %dma_wait3A_249 = arith.constant 1 : i32
    %dma_wait3A_250 = arith.constant 1 : i32
    %dma_wait3A_251 = tpu.memref_slice %arg11[%dma_wait3A_250] : memref<3x!tpu.dma_semaphore, #tpu.memory_space<semaphore_mem>> -> memref<1x!tpu.dma_semaphore, #tpu.memory_space<semaphore_mem>>
    %dma_wait3A_252 = tpu.memref_squeeze %dma_wait3A_251 : memref<1x!tpu.dma_semaphore, #tpu.memory_space<semaphore_mem>> -> memref<!tpu.dma_semaphore, #tpu.memory_space<semaphore_mem>>
    %dma_wait3A_253 = arith.constant 384 : i32
    %dma_wait3A_254 = arith.constant 94208 : i32
    %dma_wait3A_255 = tpu.memref_slice %arg5[%dma_wait3A_253, %dma_wait3A_254] : memref<1024x100000xf32, #tpu.memory_space<any>> -> memref<128x2048xf32, #tpu.memory_space<any>>
    %dma_wait3A_256 = arith.constant 384 : i32
    %dma_wait3A_257 = arith.constant 0 : i32
    %dma_wait3A_258 = tpu.memref_slice %arg9[%dma_wait3A_249, %dma_wait3A_256, %dma_wait3A_257] : memref<3x1024x2048xf32, #tpu.memory_space<vmem>> -> memref<1x128x2048xf32, #tpu.memory_space<vmem>>
    %dma_wait3A_259 = tpu.memref_squeeze %dma_wait3A_258 : memref<1x128x2048xf32, #tpu.memory_space<vmem>> -> memref<128x2048xf32, #tpu.memory_space<vmem>>
    tpu.wait_dma2 semaphore(%dma_wait3A_252 : memref<!tpu.dma_semaphore, #tpu.memory_space<semaphore_mem>>) src(%dma_wait3A_259 : memref<128x2048xf32, #tpu.memory_space<vmem>>) dst(%dma_wait3A_255 : memref<128x2048xf32, #tpu.memory_space<any>>)
    %dma_wait3A_260 = arith.constant 1 : i32
    %dma_wait3A_261 = arith.constant 1 : i32
    %dma_wait3A_262 = tpu.memref_slice %arg11[%dma_wait3A_261] : memref<3x!tpu.dma_semaphore, #tpu.memory_space<semaphore_mem>> -> memref<1x!tpu.dma_semaphore, #tpu.memory_space<semaphore_mem>>
    %dma_wait3A_263 = tpu.memref_squeeze %dma_wait3A_262 : memref<1x!tpu.dma_semaphore, #tpu.memory_space<semaphore_mem>> -> memref<!tpu.dma_semaphore, #tpu.memory_space<semaphore_mem>>
    %dma_wait3A_264 = arith.constant 512 : i32
    %dma_wait3A_265 = arith.constant 94208 : i32
    %dma_wait3A_266 = tpu.memref_slice %arg5[%dma_wait3A_264, %dma_wait3A_265] : memref<1024x100000xf32, #tpu.memory_space<any>> -> memref<128x2048xf32, #tpu.memory_space<any>>
    %dma_wait3A_267 = arith.constant 512 : i32
    %dma_wait3A_268 = arith.constant 0 : i32
    %dma_wait3A_269 = tpu.memref_slice %arg9[%dma_wait3A_260, %dma_wait3A_267, %dma_wait3A_268] : memref<3x1024x2048xf32, #tpu.memory_space<vmem>> -> memref<1x128x2048xf32, #tpu.memory_space<vmem>>
    %dma_wait3A_270 = tpu.memref_squeeze %dma_wait3A_269 : memref<1x128x2048xf32, #tpu.memory_space<vmem>> -> memref<128x2048xf32, #tpu.memory_space<vmem>>
    tpu.wait_dma2 semaphore(%dma_wait3A_263 : memref<!tpu.dma_semaphore, #tpu.memory_space<semaphore_mem>>) src(%dma_wait3A_270 : memref<128x2048xf32, #tpu.memory_space<vmem>>) dst(%dma_wait3A_266 : memref<128x2048xf32, #tpu.memory_space<any>>)
    %dma_wait3A_271 = arith.constant 1 : i32
    %dma_wait3A_272 = arith.constant 1 : i32
    %dma_wait3A_273 = tpu.memref_slice %arg11[%dma_wait3A_272] : memref<3x!tpu.dma_semaphore, #tpu.memory_space<semaphore_mem>> -> memref<1x!tpu.dma_semaphore, #tpu.memory_space<semaphore_mem>>
    %dma_wait3A_274 = tpu.memref_squeeze %dma_wait3A_273 : memref<1x!tpu.dma_semaphore, #tpu.memory_space<semaphore_mem>> -> memref<!tpu.dma_semaphore, #tpu.memory_space<semaphore_mem>>
    %dma_wait3A_275 = arith.constant 640 : i32
    %dma_wait3A_276 = arith.constant 94208 : i32
    %dma_wait3A_277 = tpu.memref_slice %arg5[%dma_wait3A_275, %dma_wait3A_276] : memref<1024x100000xf32, #tpu.memory_space<any>> -> memref<128x2048xf32, #tpu.memory_space<any>>
    %dma_wait3A_278 = arith.constant 640 : i32
    %dma_wait3A_279 = arith.constant 0 : i32
    %dma_wait3A_280 = tpu.memref_slice %arg9[%dma_wait3A_271, %dma_wait3A_278, %dma_wait3A_279] : memref<3x1024x2048xf32, #tpu.memory_space<vmem>> -> memref<1x128x2048xf32, #tpu.memory_space<vmem>>
    %dma_wait3A_281 = tpu.memref_squeeze %dma_wait3A_280 : memref<1x128x2048xf32, #tpu.memory_space<vmem>> -> memref<128x2048xf32, #tpu.memory_space<vmem>>
    tpu.wait_dma2 semaphore(%dma_wait3A_274 : memref<!tpu.dma_semaphore, #tpu.memory_space<semaphore_mem>>) src(%dma_wait3A_281 : memref<128x2048xf32, #tpu.memory_space<vmem>>) dst(%dma_wait3A_277 : memref<128x2048xf32, #tpu.memory_space<any>>)
    %dma_wait3A_282 = arith.constant 1 : i32
    %dma_wait3A_283 = arith.constant 1 : i32
    %dma_wait3A_284 = tpu.memref_slice %arg11[%dma_wait3A_283] : memref<3x!tpu.dma_semaphore, #tpu.memory_space<semaphore_mem>> -> memref<1x!tpu.dma_semaphore, #tpu.memory_space<semaphore_mem>>
    %dma_wait3A_285 = tpu.memref_squeeze %dma_wait3A_284 : memref<1x!tpu.dma_semaphore, #tpu.memory_space<semaphore_mem>> -> memref<!tpu.dma_semaphore, #tpu.memory_space<semaphore_mem>>
    %dma_wait3A_286 = arith.constant 768 : i32
    %dma_wait3A_287 = arith.constant 94208 : i32
    %dma_wait3A_288 = tpu.memref_slice %arg5[%dma_wait3A_286, %dma_wait3A_287] : memref<1024x100000xf32, #tpu.memory_space<any>> -> memref<128x2048xf32, #tpu.memory_space<any>>
    %dma_wait3A_289 = arith.constant 768 : i32
    %dma_wait3A_290 = arith.constant 0 : i32
    %dma_wait3A_291 = tpu.memref_slice %arg9[%dma_wait3A_282, %dma_wait3A_289, %dma_wait3A_290] : memref<3x1024x2048xf32, #tpu.memory_space<vmem>> -> memref<1x128x2048xf32, #tpu.memory_space<vmem>>
    %dma_wait3A_292 = tpu.memref_squeeze %dma_wait3A_291 : memref<1x128x2048xf32, #tpu.memory_space<vmem>> -> memref<128x2048xf32, #tpu.memory_space<vmem>>
    tpu.wait_dma2 semaphore(%dma_wait3A_285 : memref<!tpu.dma_semaphore, #tpu.memory_space<semaphore_mem>>) src(%dma_wait3A_292 : memref<128x2048xf32, #tpu.memory_space<vmem>>) dst(%dma_wait3A_288 : memref<128x2048xf32, #tpu.memory_space<any>>)
    %dma_wait3A_293 = arith.constant 1 : i32
    %dma_wait3A_294 = arith.constant 1 : i32
    %dma_wait3A_295 = tpu.memref_slice %arg11[%dma_wait3A_294] : memref<3x!tpu.dma_semaphore, #tpu.memory_space<semaphore_mem>> -> memref<1x!tpu.dma_semaphore, #tpu.memory_space<semaphore_mem>>
    %dma_wait3A_296 = tpu.memref_squeeze %dma_wait3A_295 : memref<1x!tpu.dma_semaphore, #tpu.memory_space<semaphore_mem>> -> memref<!tpu.dma_semaphore, #tpu.memory_space<semaphore_mem>>
    %dma_wait3A_297 = arith.constant 896 : i32
    %dma_wait3A_298 = arith.constant 94208 : i32
    %dma_wait3A_299 = tpu.memref_slice %arg5[%dma_wait3A_297, %dma_wait3A_298] : memref<1024x100000xf32, #tpu.memory_space<any>> -> memref<128x2048xf32, #tpu.memory_space<any>>
    %dma_wait3A_300 = arith.constant 896 : i32
    %dma_wait3A_301 = arith.constant 0 : i32
    %dma_wait3A_302 = tpu.memref_slice %arg9[%dma_wait3A_293, %dma_wait3A_300, %dma_wait3A_301] : memref<3x1024x2048xf32, #tpu.memory_space<vmem>> -> memref<1x128x2048xf32, #tpu.memory_space<vmem>>
    %dma_wait3A_303 = tpu.memref_squeeze %dma_wait3A_302 : memref<1x128x2048xf32, #tpu.memory_space<vmem>> -> memref<128x2048xf32, #tpu.memory_space<vmem>>
    tpu.wait_dma2 semaphore(%dma_wait3A_296 : memref<!tpu.dma_semaphore, #tpu.memory_space<semaphore_mem>>) src(%dma_wait3A_303 : memref<128x2048xf32, #tpu.memory_space<vmem>>) dst(%dma_wait3A_299 : memref<128x2048xf32, #tpu.memory_space<any>>)
    %dma_wait3A_304 = arith.constant 2 : i32
    %dma_wait3A_305 = arith.constant 2 : i32
    %dma_wait3A_306 = tpu.memref_slice %arg11[%dma_wait3A_305] : memref<3x!tpu.dma_semaphore, #tpu.memory_space<semaphore_mem>> -> memref<1x!tpu.dma_semaphore, #tpu.memory_space<semaphore_mem>>
    %dma_wait3A_307 = tpu.memref_squeeze %dma_wait3A_306 : memref<1x!tpu.dma_semaphore, #tpu.memory_space<semaphore_mem>> -> memref<!tpu.dma_semaphore, #tpu.memory_space<semaphore_mem>>
    %dma_wait3A_308 = arith.constant 0 : i32
    %dma_wait3A_309 = arith.constant 96256 : i32
    %dma_wait3A_310 = tpu.memref_slice %arg5[%dma_wait3A_308, %dma_wait3A_309] : memref<1024x100000xf32, #tpu.memory_space<any>> -> memref<128x2048xf32, #tpu.memory_space<any>>
    %dma_wait3A_311 = arith.constant 0 : i32
    %dma_wait3A_312 = arith.constant 0 : i32
    %dma_wait3A_313 = tpu.memref_slice %arg9[%dma_wait3A_304, %dma_wait3A_311, %dma_wait3A_312] : memref<3x1024x2048xf32, #tpu.memory_space<vmem>> -> memref<1x128x2048xf32, #tpu.memory_space<vmem>>
    %dma_wait3A_314 = tpu.memref_squeeze %dma_wait3A_313 : memref<1x128x2048xf32, #tpu.memory_space<vmem>> -> memref<128x2048xf32, #tpu.memory_space<vmem>>
    tpu.wait_dma2 semaphore(%dma_wait3A_307 : memref<!tpu.dma_semaphore, #tpu.memory_space<semaphore_mem>>) src(%dma_wait3A_314 : memref<128x2048xf32, #tpu.memory_space<vmem>>) dst(%dma_wait3A_310 : memref<128x2048xf32, #tpu.memory_space<any>>)
    %dma_wait3A_315 = arith.constant 2 : i32
    %dma_wait3A_316 = arith.constant 2 : i32
    %dma_wait3A_317 = tpu.memref_slice %arg11[%dma_wait3A_316] : memref<3x!tpu.dma_semaphore, #tpu.memory_space<semaphore_mem>> -> memref<1x!tpu.dma_semaphore, #tpu.memory_space<semaphore_mem>>
    %dma_wait3A_318 = tpu.memref_squeeze %dma_wait3A_317 : memref<1x!tpu.dma_semaphore, #tpu.memory_space<semaphore_mem>> -> memref<!tpu.dma_semaphore, #tpu.memory_space<semaphore_mem>>
    %dma_wait3A_319 = arith.constant 128 : i32
    %dma_wait3A_320 = arith.constant 96256 : i32
    %dma_wait3A_321 = tpu.memref_slice %arg5[%dma_wait3A_319, %dma_wait3A_320] : memref<1024x100000xf32, #tpu.memory_space<any>> -> memref<128x2048xf32, #tpu.memory_space<any>>
    %dma_wait3A_322 = arith.constant 128 : i32
    %dma_wait3A_323 = arith.constant 0 : i32
    %dma_wait3A_324 = tpu.memref_slice %arg9[%dma_wait3A_315, %dma_wait3A_322, %dma_wait3A_323] : memref<3x1024x2048xf32, #tpu.memory_space<vmem>> -> memref<1x128x2048xf32, #tpu.memory_space<vmem>>
    %dma_wait3A_325 = tpu.memref_squeeze %dma_wait3A_324 : memref<1x128x2048xf32, #tpu.memory_space<vmem>> -> memref<128x2048xf32, #tpu.memory_space<vmem>>
    tpu.wait_dma2 semaphore(%dma_wait3A_318 : memref<!tpu.dma_semaphore, #tpu.memory_space<semaphore_mem>>) src(%dma_wait3A_325 : memref<128x2048xf32, #tpu.memory_space<vmem>>) dst(%dma_wait3A_321 : memref<128x2048xf32, #tpu.memory_space<any>>)
    %dma_wait3A_326 = arith.constant 2 : i32
    %dma_wait3A_327 = arith.constant 2 : i32
    %dma_wait3A_328 = tpu.memref_slice %arg11[%dma_wait3A_327] : memref<3x!tpu.dma_semaphore, #tpu.memory_space<semaphore_mem>> -> memref<1x!tpu.dma_semaphore, #tpu.memory_space<semaphore_mem>>
    %dma_wait3A_329 = tpu.memref_squeeze %dma_wait3A_328 : memref<1x!tpu.dma_semaphore, #tpu.memory_space<semaphore_mem>> -> memref<!tpu.dma_semaphore, #tpu.memory_space<semaphore_mem>>
    %dma_wait3A_330 = arith.constant 256 : i32
    %dma_wait3A_331 = arith.constant 96256 : i32
    %dma_wait3A_332 = tpu.memref_slice %arg5[%dma_wait3A_330, %dma_wait3A_331] : memref<1024x100000xf32, #tpu.memory_space<any>> -> memref<128x2048xf32, #tpu.memory_space<any>>
    %dma_wait3A_333 = arith.constant 256 : i32
    %dma_wait3A_334 = arith.constant 0 : i32
    %dma_wait3A_335 = tpu.memref_slice %arg9[%dma_wait3A_326, %dma_wait3A_333, %dma_wait3A_334] : memref<3x1024x2048xf32, #tpu.memory_space<vmem>> -> memref<1x128x2048xf32, #tpu.memory_space<vmem>>
    %dma_wait3A_336 = tpu.memref_squeeze %dma_wait3A_335 : memref<1x128x2048xf32, #tpu.memory_space<vmem>> -> memref<128x2048xf32, #tpu.memory_space<vmem>>
    tpu.wait_dma2 semaphore(%dma_wait3A_329 : memref<!tpu.dma_semaphore, #tpu.memory_space<semaphore_mem>>) src(%dma_wait3A_336 : memref<128x2048xf32, #tpu.memory_space<vmem>>) dst(%dma_wait3A_332 : memref<128x2048xf32, #tpu.memory_space<any>>)
    %dma_wait3A_337 = arith.constant 2 : i32
    %dma_wait3A_338 = arith.constant 2 : i32
    %dma_wait3A_339 = tpu.memref_slice %arg11[%dma_wait3A_338] : memref<3x!tpu.dma_semaphore, #tpu.memory_space<semaphore_mem>> -> memref<1x!tpu.dma_semaphore, #tpu.memory_space<semaphore_mem>>
    %dma_wait3A_340 = tpu.memref_squeeze %dma_wait3A_339 : memref<1x!tpu.dma_semaphore, #tpu.memory_space<semaphore_mem>> -> memref<!tpu.dma_semaphore, #tpu.memory_space<semaphore_mem>>
    %dma_wait3A_341 = arith.constant 384 : i32
    %dma_wait3A_342 = arith.constant 96256 : i32
    %dma_wait3A_343 = tpu.memref_slice %arg5[%dma_wait3A_341, %dma_wait3A_342] : memref<1024x100000xf32, #tpu.memory_space<any>> -> memref<128x2048xf32, #tpu.memory_space<any>>
    %dma_wait3A_344 = arith.constant 384 : i32
    %dma_wait3A_345 = arith.constant 0 : i32
    %dma_wait3A_346 = tpu.memref_slice %arg9[%dma_wait3A_337, %dma_wait3A_344, %dma_wait3A_345] : memref<3x1024x2048xf32, #tpu.memory_space<vmem>> -> memref<1x128x2048xf32, #tpu.memory_space<vmem>>
    %dma_wait3A_347 = tpu.memref_squeeze %dma_wait3A_346 : memref<1x128x2048xf32, #tpu.memory_space<vmem>> -> memref<128x2048xf32, #tpu.memory_space<vmem>>
    tpu.wait_dma2 semaphore(%dma_wait3A_340 : memref<!tpu.dma_semaphore, #tpu.memory_space<semaphore_mem>>) src(%dma_wait3A_347 : memref<128x2048xf32, #tpu.memory_space<vmem>>) dst(%dma_wait3A_343 : memref<128x2048xf32, #tpu.memory_space<any>>)
    %dma_wait3A_348 = arith.constant 2 : i32
    %dma_wait3A_349 = arith.constant 2 : i32
    %dma_wait3A_350 = tpu.memref_slice %arg11[%dma_wait3A_349] : memref<3x!tpu.dma_semaphore, #tpu.memory_space<semaphore_mem>> -> memref<1x!tpu.dma_semaphore, #tpu.memory_space<semaphore_mem>>
    %dma_wait3A_351 = tpu.memref_squeeze %dma_wait3A_350 : memref<1x!tpu.dma_semaphore, #tpu.memory_space<semaphore_mem>> -> memref<!tpu.dma_semaphore, #tpu.memory_space<semaphore_mem>>
    %dma_wait3A_352 = arith.constant 512 : i32
    %dma_wait3A_353 = arith.constant 96256 : i32
    %dma_wait3A_354 = tpu.memref_slice %arg5[%dma_wait3A_352, %dma_wait3A_353] : memref<1024x100000xf32, #tpu.memory_space<any>> -> memref<128x2048xf32, #tpu.memory_space<any>>
    %dma_wait3A_355 = arith.constant 512 : i32
    %dma_wait3A_356 = arith.constant 0 : i32
    %dma_wait3A_357 = tpu.memref_slice %arg9[%dma_wait3A_348, %dma_wait3A_355, %dma_wait3A_356] : memref<3x1024x2048xf32, #tpu.memory_space<vmem>> -> memref<1x128x2048xf32, #tpu.memory_space<vmem>>
    %dma_wait3A_358 = tpu.memref_squeeze %dma_wait3A_357 : memref<1x128x2048xf32, #tpu.memory_space<vmem>> -> memref<128x2048xf32, #tpu.memory_space<vmem>>
    tpu.wait_dma2 semaphore(%dma_wait3A_351 : memref<!tpu.dma_semaphore, #tpu.memory_space<semaphore_mem>>) src(%dma_wait3A_358 : memref<128x2048xf32, #tpu.memory_space<vmem>>) dst(%dma_wait3A_354 : memref<128x2048xf32, #tpu.memory_space<any>>)
    %dma_wait3A_359 = arith.constant 2 : i32
    %dma_wait3A_360 = arith.constant 2 : i32
    %dma_wait3A_361 = tpu.memref_slice %arg11[%dma_wait3A_360] : memref<3x!tpu.dma_semaphore, #tpu.memory_space<semaphore_mem>> -> memref<1x!tpu.dma_semaphore, #tpu.memory_space<semaphore_mem>>
    %dma_wait3A_362 = tpu.memref_squeeze %dma_wait3A_361 : memref<1x!tpu.dma_semaphore, #tpu.memory_space<semaphore_mem>> -> memref<!tpu.dma_semaphore, #tpu.memory_space<semaphore_mem>>
    %dma_wait3A_363 = arith.constant 640 : i32
    %dma_wait3A_364 = arith.constant 96256 : i32
    %dma_wait3A_365 = tpu.memref_slice %arg5[%dma_wait3A_363, %dma_wait3A_364] : memref<1024x100000xf32, #tpu.memory_space<any>> -> memref<128x2048xf32, #tpu.memory_space<any>>
    %dma_wait3A_366 = arith.constant 640 : i32
    %dma_wait3A_367 = arith.constant 0 : i32
    %dma_wait3A_368 = tpu.memref_slice %arg9[%dma_wait3A_359, %dma_wait3A_366, %dma_wait3A_367] : memref<3x1024x2048xf32, #tpu.memory_space<vmem>> -> memref<1x128x2048xf32, #tpu.memory_space<vmem>>
    %dma_wait3A_369 = tpu.memref_squeeze %dma_wait3A_368 : memref<1x128x2048xf32, #tpu.memory_space<vmem>> -> memref<128x2048xf32, #tpu.memory_space<vmem>>
    tpu.wait_dma2 semaphore(%dma_wait3A_362 : memref<!tpu.dma_semaphore, #tpu.memory_space<semaphore_mem>>) src(%dma_wait3A_369 : memref<128x2048xf32, #tpu.memory_space<vmem>>) dst(%dma_wait3A_365 : memref<128x2048xf32, #tpu.memory_space<any>>)
    %dma_wait3A_370 = arith.constant 2 : i32
    %dma_wait3A_371 = arith.constant 2 : i32
    %dma_wait3A_372 = tpu.memref_slice %arg11[%dma_wait3A_371] : memref<3x!tpu.dma_semaphore, #tpu.memory_space<semaphore_mem>> -> memref<1x!tpu.dma_semaphore, #tpu.memory_space<semaphore_mem>>
    %dma_wait3A_373 = tpu.memref_squeeze %dma_wait3A_372 : memref<1x!tpu.dma_semaphore, #tpu.memory_space<semaphore_mem>> -> memref<!tpu.dma_semaphore, #tpu.memory_space<semaphore_mem>>
    %dma_wait3A_374 = arith.constant 768 : i32
    %dma_wait3A_375 = arith.constant 96256 : i32
    %dma_wait3A_376 = tpu.memref_slice %arg5[%dma_wait3A_374, %dma_wait3A_375] : memref<1024x100000xf32, #tpu.memory_space<any>> -> memref<128x2048xf32, #tpu.memory_space<any>>
    %dma_wait3A_377 = arith.constant 768 : i32
    %dma_wait3A_378 = arith.constant 0 : i32
    %dma_wait3A_379 = tpu.memref_slice %arg9[%dma_wait3A_370, %dma_wait3A_377, %dma_wait3A_378] : memref<3x1024x2048xf32, #tpu.memory_space<vmem>> -> memref<1x128x2048xf32, #tpu.memory_space<vmem>>
    %dma_wait3A_380 = tpu.memref_squeeze %dma_wait3A_379 : memref<1x128x2048xf32, #tpu.memory_space<vmem>> -> memref<128x2048xf32, #tpu.memory_space<vmem>>
    tpu.wait_dma2 semaphore(%dma_wait3A_373 : memref<!tpu.dma_semaphore, #tpu.memory_space<semaphore_mem>>) src(%dma_wait3A_380 : memref<128x2048xf32, #tpu.memory_space<vmem>>) dst(%dma_wait3A_376 : memref<128x2048xf32, #tpu.memory_space<any>>)
    %dma_wait3A_381 = arith.constant 2 : i32
    %dma_wait3A_382 = arith.constant 2 : i32
    %dma_wait3A_383 = tpu.memref_slice %arg11[%dma_wait3A_382] : memref<3x!tpu.dma_semaphore, #tpu.memory_space<semaphore_mem>> -> memref<1x!tpu.dma_semaphore, #tpu.memory_space<semaphore_mem>>
    %dma_wait3A_384 = tpu.memref_squeeze %dma_wait3A_383 : memref<1x!tpu.dma_semaphore, #tpu.memory_space<semaphore_mem>> -> memref<!tpu.dma_semaphore, #tpu.memory_space<semaphore_mem>>
    %dma_wait3A_385 = arith.constant 896 : i32
    %dma_wait3A_386 = arith.constant 96256 : i32
    %dma_wait3A_387 = tpu.memref_slice %arg5[%dma_wait3A_385, %dma_wait3A_386] : memref<1024x100000xf32, #tpu.memory_space<any>> -> memref<128x2048xf32, #tpu.memory_space<any>>
    %dma_wait3A_388 = arith.constant 896 : i32
    %dma_wait3A_389 = arith.constant 0 : i32
    %dma_wait3A_390 = tpu.memref_slice %arg9[%dma_wait3A_381, %dma_wait3A_388, %dma_wait3A_389] : memref<3x1024x2048xf32, #tpu.memory_space<vmem>> -> memref<1x128x2048xf32, #tpu.memory_space<vmem>>
    %dma_wait3A_391 = tpu.memref_squeeze %dma_wait3A_390 : memref<1x128x2048xf32, #tpu.memory_space<vmem>> -> memref<128x2048xf32, #tpu.memory_space<vmem>>
    tpu.wait_dma2 semaphore(%dma_wait3A_384 : memref<!tpu.dma_semaphore, #tpu.memory_space<semaphore_mem>>) src(%dma_wait3A_391 : memref<128x2048xf32, #tpu.memory_space<vmem>>) dst(%dma_wait3A_387 : memref<128x2048xf32, #tpu.memory_space<any>>)
    return
  }
}

module attributes {stable_mosaic.version = 14 : i64} {
  func.func @_tail_body(%arg0: i32, %arg1: memref<1024x100000xf32, #tpu.memory_space<any>>, %arg2: memref<1024x512xbf16, #tpu.memory_space<vmem>>, %arg3: memref<512x2048xf32, #tpu.memory_space<vmem>>, %arg4: memref<1x2048xf32, #tpu.memory_space<vmem>>, %arg5: memref<1024x2048xf32, #tpu.memory_space<vmem>>) attributes {dimension_semantics = [#tpu.dimension_semantics<arbitrary>], iteration_bounds = array<i64: 1>, scalar_prefetch = 0 : i64, scratch_operands = 0 : i64, tpu.core_type = #tpu.core_type<tc>, window_params = [{}, {pipeline_mode = #tpu.pipeline_mode<synchronous>, transform_indices = @transform_1, window_bounds = array<i64: 1024, 512>}, {transform_indices = @transform_2, window_bounds = array<i64: 512, 2048>}, {transform_indices = @transform_3, window_bounds = array<i64: 1, 2048>}, {transform_indices = @transform_4, window_bounds = array<i64: 1024, 2048>}]} {
    %get3A = arith.constant 0 : index
    %get3A_0 = arith.constant 0 : index
    %get3A_1 = vector.load %arg2[%get3A, %get3A_0] : memref<1024x512xbf16, #tpu.memory_space<vmem>>, vector<1024x512xbf16>
    %get3A_2 = arith.constant 0 : index
    %get3A_3 = arith.constant 0 : index
    %get3A_4 = vector.load %arg3[%get3A_2, %get3A_3] : memref<512x2048xf32, #tpu.memory_space<vmem>>, vector<512x2048xf32>
    %convert_element_type3A = arith.truncf %get3A_4 : vector<512x2048xf32> to vector<512x2048xbf16>
    %dot_general3A = arith.constant dense<0.000000e+00> : vector<1024x2048xf32>
    %dot_general3A_5 = tpu.matmul %get3A_1, %convert_element_type3A, %dot_general3A {dimension_numbers = #tpu.dot_dimension_numbers<[1], [0], [0], [1], [0, 0, 1, 1], [], []>, transpose_lhs_hint = false} : vector<1024x512xbf16>, vector<512x2048xbf16>, vector<1024x2048xf32> -> vector<1024x2048xf32>
    %get3A_6 = arith.constant 0 : index
    %get3A_7 = arith.constant 0 : index
    %get3A_8 = vector.load %arg4[%get3A_6, %get3A_7] : memref<1x2048xf32, #tpu.memory_space<vmem>>, vector<1x2048xf32>
    %add3A = vector.broadcast %get3A_8 : vector<1x2048xf32> to vector<1024x2048xf32>
    %add3A_9 = arith.addf %dot_general3A_5, %add3A : vector<1024x2048xf32>
    %swap3A = arith.constant 0 : index
    %swap3A_10 = arith.constant 0 : index
    %swap3A_11 = vector.load %arg5[%swap3A, %swap3A_10] : memref<1024x2048xf32, #tpu.memory_space<vmem>>, vector<1024x2048xf32>
    tpu.vector_store %arg5[%swap3A, %swap3A_10], %add3A_9 {strides = array<i32>} : memref<1024x2048xf32, #tpu.memory_space<vmem>>, vector<1024x2048xf32>,
    return
  }
  func.func @transform_1(%arg0: i32) -> (i32, i32) {
    %c0_i32 = arith.constant 0 : i32
    %c0_i32_0 = arith.constant 0 : i32
    %c0_i32_1 = arith.constant 0 : i32
    return %c0_i32, %c0_i32_0 : i32, i32
  }
  func.func @transform_2(%arg0: i32) -> (i32, i32) {
    %c0_i32 = arith.constant 0 : i32
    %c48_i32 = arith.constant 48 : i32
    %c0_i32_0 = arith.constant 0 : i32
    return %c0_i32, %c48_i32 : i32, i32
  }
  func.func @transform_3(%arg0: i32) -> (i32, i32) {
    %c0_i32 = arith.constant 0 : i32
    %c48_i32 = arith.constant 48 : i32
    %c0_i32_0 = arith.constant 0 : i32
    return %c0_i32, %c48_i32 : i32, i32
  }
  func.func @transform_4(%arg0: i32) -> (i32, i32) {
    %c0_i32 = arith.constant 0 : i32
    %c48_i32 = arith.constant 48 : i32
    %c0_i32_0 = arith.constant 0 : i32
    return %c0_i32, %c48_i32 : i32, i32
  }
}

</mosaic_0001>

<sc_bundles>
// kernel: kernel.5.cloned.1.call-start
scs
__scs_entry_jumppad:
0x0: {  	(pc) =	sbr.rel $0x88, $3  }
0x1: {  	(tag) =	ssettag $0x0;
	lr =	simm.s32 $0x1  }
0x2: {  	[smem:$0x3F9B] =	sst lr;
	_ =	strace $0xD0000000  }
0x3: {  	_ = 	snop  }
0x4: {  	_ = 	snop  }
0x5: {  	_ = 	snop  }
0x6: {  	_ = 	snop  }
0x7: {  	_ = 	snop  }
__scs_overlays_trampoline_lowered:
0x8: {  	[smem:$0x3FAA] =	sst s0  }
0x9: {  	[smem:$0x3FAB] =	sst s1  }
0xa: {  	[smem:$0x3FAC] =	sst s2  }
0xb: {  	[smem:$0x3FAD] =	sst s3  }
0xc: {  	[smem:$0x3FAE] =	sst s4  }
0xd: {  	[smem:$0x3FAF] =	sst s5  }
0xe: {  	[smem:$0x3FB0] =	sst s6  }
0xf: {  	[smem:$0x3FB1] =	sst s7  }
0x10: {  	[smem:$0x3FB2] =	sst s8  }
0x11: {  	[smem:$0x3FB3] =	sst s9;
	s0 =	simm.s32 @!p0 $0x0  }
0x12: {  	s1 =	sld [smem:$0x3F99];
	s0 =	simm.s32 @p0 $0x1  }
0x13: {  	[smem:$0x3FB4] =	sst s0;
	s0 =	simm.s32 @!p1 $0x0  }
0x14: {  	s2 =	sld [smem:$0x3F98];
	s0 =	simm.s32 @p1 $0x1  }
0x15: {  	[smem:$0x3FB5] =	sst s0;
	s0 =	simm.s32 @!p2 $0x0  }
0x16: {  	s3 =	sld [smem:$0x3FDB];
	s0 =	simm.s32 @p2 $0x1  }
0x17: {  	s4 =	simm.s32 $0x1BF5;
	[smem:$0x3FB7] =	sst s0  }
0x18: {  	s0 =	sld [smem:$0x3F9A];
	_ =	swait.ge [sflag:s4], $0x0  }
0x19: {  	s7 =	sld [smem:$0x3F9B]  }
0x1a: {  	s8 =	sadd.s32 $0xFFFFE003, lr  }
0x1b: {  	s9 =	sadd.s32 $0xFFFFFEF7, lr;
	s5 =	simm.s32 $0xFFFFFFFF;
	p2 =	slt.u32 s8, $0xFFFFF086  }
0x1c: {  	p1 =	slt.u32 s9, $0xF7A;
	s5 =	simm.s32 @!p2 $0x0  }
0x1d: {  	s5 =	simm.s32 @p1 $0x1;
	p0 =	seq.s32 s7, s2  }
0x1e: {  	s7 =	smul.u32 @!p0 $0xF7A, s2;
	p2 =	seq.s32 @!p0 s5, $0x0  }
0x1f: {  	s9 =	smul.u32 $0xF7A, s1;
	s8 =	simm.s32 @!p0 $0x1BF5;
	p2 =	por !p2, p0  }
0x20: {  	[sflag:s8] =	ssyncset.s32 @!p0 $0xFFFFF086;
	s6 =	sadd.s32 @!p0 s3, s7;
	s7 =	simm.s32 @!p0 $0x108  }
0x21: {  	s3 =	sadd.s32 s3, s9;
	s6 =	sadd.s32 @!p0 $0x88, s6;
	s7 =	simm.s32 @p2 $0x1082  }
0x22: {  	[simem:s7], [sflag:s8] =	dma.local @!p0 [hbm:s6], $0xF7A  }
0x23: {  	s9 =	sor.u32 $0xD0000000, s2;
	s6 =	simm.s32 $0x108;
	_ =	swait.ge @!p0 [sflag:s8], $0x0  }
0x24: {  	s3 =	sadd.s32 $0x88, s3;
	s6 =	simm.s32 @!p1 $0x1082;
	[sflag:s4] =	ssyncset.s32 $0xFFFFF086  }
0x25: {  	[simem:s6], [sflag:s4] =	dma.local [hbm:s3], $0xF7A  }
0x26: {  	[smem:$0x3F9B] =	sst s1;
	(tag) =	ssettag s2;
	_ =	strace s9  }
0x27: {  	s1 =	sld [smem:$0x3FAB]  }
0x28: {  	s2 =	sld [smem:$0x3FAC]  }
0x29: {  	s4 =	sld [smem:$0x3FAE]  }
0x2a: {  	p0 =	seq.s32 s5, $0x0;
	s5 =	sld [smem:$0x3FAF]  }
0x2b: {  	s6 =	sld [smem:$0x3FB0]  }
0x2c: {  	s7 =	sld [smem:$0x3FB1]  }
0x2d: {  	s3 =	simm.s32 $0x108;
	s8 =	sld [smem:$0x3FB2]  }
0x2e: {  	s3 =	simm.s32 @!p0 $0x1082;
	s9 =	sld [smem:$0x3FB3]  }
0x2f: {  	lr =	sadd.s32 s0, s3;
	s0 =	sld [smem:$0x3FAA]  }
0x30: {  	s3 =	sld [smem:$0x3FAD]  }
0x31: {  	[smem:$0x3FB6] =	sst s10  }
0x32: {  	s10 =	sld [smem:$0x3FB4];
	_ =	sdelay $0x3  }
0x33: {  	p0 =	seq.s32 s10, $0x1;
	s10 =	sld [smem:$0x3FB6];
	_ =	sdelay $0x3  }
0x34: {  	[smem:$0x3FB6] =	sst s10  }
0x35: {  	s10 =	sld [smem:$0x3FB5];
	_ =	sdelay $0x3  }
0x36: {  	p1 =	seq.s32 s10, $0x1;
	s10 =	sld [smem:$0x3FB6];
	_ =	sdelay $0x3  }
0x37: {  	[smem:$0x3FB6] =	sst s10  }
0x38: {  	s10 =	sld [smem:$0x3FB7]  }
0x39: {  	_ = 	snop;
	(pc) =	sbr.ind lr, $3  }
0x3a: {  	_ = 	snop  }
0x3b: {  	_ = 	snop  }
0x3c: {  	p2 =	seq.s32 s10, $0x1;
	s10 =	sld [smem:$0x3FB6]  }
0x3d: {  	_ =	shalt  }
0x3e: {  	_ =	shalt  }
0x3f: {  	_ =	shalt  }
0x40: {  	_ =	shalt  }
0x41: {  	_ =	shalt  }
0x42: {  	_ =	shalt  }
0x43: {  	_ =	shalt  }
0x44: {  	_ =	shalt  }
0x45: {  	_ =	shalt  }
0x46: {  	_ =	shalt  }
0x47: {  	_ =	shalt  }
0x48: {  	_ =	shalt  }
0x49: {  	_ =	shalt  }
0x4a: {  	_ =	shalt  }
0x4b: {  	_ =	shalt  }
0x4c: {  	_ =	shalt  }
0x4d: {  	_ =	shalt  }
0x4e: {  	_ =	shalt  }
0x4f: {  	_ =	shalt  }
0x50: {  	_ =	shalt  }
0x51: {  	_ =	shalt  }
0x52: {  	_ =	shalt  }
0x53: {  	_ =	shalt  }
0x54: {  	_ =	shalt  }
0x55: {  	_ =	shalt  }
0x56: {  	_ =	shalt  }
0x57: {  	_ =	shalt  }
0x58: {  	_ =	shalt  }
0x59: {  	_ =	shalt  }
0x5a: {  	_ =	shalt  }
0x5b: {  	_ =	shalt  }
0x5c: {  	_ =	shalt  }
0x5d: {  	_ =	shalt  }
0x5e: {  	_ =	shalt  }
0x5f: {  	_ =	shalt  }
0x60: {  	_ =	shalt  }
0x61: {  	_ =	shalt  }
0x62: {  	_ =	shalt  }
0x63: {  	_ =	shalt  }
0x64: {  	_ =	shalt  }
0x65: {  	_ =	shalt  }
0x66: {  	_ =	shalt  }
0x67: {  	_ =	shalt  }
0x68: {  	_ =	shalt  }
0x69: {  	_ =	shalt  }
0x6a: {  	_ =	shalt  }
0x6b: {  	_ =	shalt  }
0x6c: {  	_ =	shalt  }
0x6d: {  	_ =	shalt  }
0x6e: {  	_ =	shalt  }
0x6f: {  	_ =	shalt  }
0x70: {  	_ =	shalt  }
0x71: {  	_ =	shalt  }
0x72: {  	_ =	shalt  }
0x73: {  	_ =	shalt  }
0x74: {  	_ =	shalt  }
0x75: {  	_ =	shalt  }
0x76: {  	_ =	shalt  }
0x77: {  	_ =	shalt  }
0x78: {  	_ =	shalt  }
0x79: {  	_ =	shalt  }
0x7a: {  	_ =	shalt  }
0x7b: {  	_ =	shalt  }
0x7c: {  	_ =	shalt  }
0x7d: {  	_ =	shalt  }
0x7e: {  	_ =	shalt  }
0x7f: {  	_ =	shalt  }
0x80: {  	_ =	shalt  }
0x81: {  	_ =	shalt  }
0x82: {  	_ =	shalt  }
0x83: {  	_ =	shalt  }
0x84: {  	_ =	shalt  }
0x85: {  	_ =	shalt  }
0x86: {  	_ =	shalt  }
0x87: {  	_ =	shalt  }
.Lfunc_end0:
.L_simem_size_0:
called_computation_lowered:
.L_overlay_start_0:
0x88: {  	s2 =	sld [smem:$0x3FD9]  }
0x89: {  	s3 =	sld [smem:$0x3FFE];
	_ =	sdelay $0x1  }
0x8a: {  	s1 =	srdreg.scid  }
0x8b: {  	s0 =	sand.u32 $0x1, s1  }
0x8c: {  	s16 =	sshll.u32 s0, $0xA;
	s2 =	sadd.s32 s3, s2  }
0x8d: {  	s2 =	sadd.s32 s2, s16  }
0x8e: {  	[smem:$0x3FC2] =	sst s2  }
0x8f: {  	_ = 	snop  }
0x90: {  	(tm) =	ssettm $0x1  }
0x91: {  	s17 =	sld [smem:$0x3FFB];
	_ =	sdelay $0x3  }
0x92: {  	_ =	strace s17  }
0x93: {  	s2 =	sld [smem:$0x3FFC];
	_ =	sdelay $0x3  }
0x94: {  	_ =	strace s2  }
0x95: {  	s2 =	sld [smem:$0x3FFD];
	_ =	sdelay $0x3  }
0x96: {  	_ =	strace s2  }
0x97: {  	_ =	strace $0x8FFFFFFF  }
0x98: {  	s18 =	sld [smem:$0x3FDB];
	_ =	sdelay $0x1  }
0x99: {  	s19 =	simm.s32 $_scs_section_size  }
0x9a: {  	s4 =	simm.s32 $_size__tile_overlayer_lowered;
	s5 =	simm.s32 $_tile_overlayer_lowered  }
0x9b: {  	s22 =	simm.s32 $0x1BFF;
	s21 =	sshll.u32 s5, $0x1;
	s2 =	sadd.s32 s19, s18  }
0x9c: {  	s6 =	simm.s32 $0x0;
	s20 =	sshll.u32 s4, $0x1;
	s4 =	sadd.s32 s21, s2  }
0x9d: {  	[timem:s6], [sflag:s22] =	dma.local [hbm:s4], s20  }
0x9e: {  	_ =	swait.ge [sflag:s22], s20  }
0x9f: {  	s3 =	ssub.s32 $0x0, s20;
	[sflag:s22] =	ssyncset.done $0x0  }
0xa0: {  	[sflag:s22] =	ssyncadd.s32 s3;
	_ =	sdelay $0x1  }
0xa1: {  	s23 =	simm.s32 $0x1B8B  }
0xa2: {  	_ =	swait.ge [sflag:s23], $0x1  }
0xa3: {  	[sflag:s23] =	ssyncset.done $0x0  }
0xa4: {  	s25 =	simm.s32 $0x1B8E;
	s24 =	sld [smem:$0x3FFE];
	[sflag:s23] =	ssyncadd.s32 $0xFFFFFFFF  }
0xa5: {  	s26 =	simm.s32 $execute0_lowered;
	[smem:$0x3FD2] =	sst s25  }
0xa6: {  	s4 =	sshll.u32 s26, $0x1;
	_ =	strace $0x80000046;
	[dreg:$0x1] =	wrdreg $0xFFFFFFFF  }
0xa7: {  	s28 =	simm.s32 $_size_execute0_lowered;
	s2 =	sadd.s32 s2, s4;
	[dreg:$0x0] =	wrdreg $0x0  }
0xa8: {  	s4 =	sshll.u32 s28, $0x1;
	[dreg:$0x2] =	wrdreg s2  }
0xa9: {  	[dreg:$0x3] =	wrdreg s4  }
0xaa: {  	[dreg:$0x4] =	wrdreg $0xC0  }
0xab: {  	_ =	task [dreg:s6], $0x5FFFF  }
0xac: {  	[dreg:$0x1] =	wrdreg $0xFFFFFFFF  }
0xad: {  	[dreg:$0x0] =	wrdreg $0x60  }
0xae: {  	[dreg:$0x2] =	wrdreg s24  }
0xaf: {  	[dreg:$0x3] =	wrdreg $0x9  }
0xb0: {  	_ =	task.clear_ibuf [dreg:s6], $0x4FFFF;
	_ =	strace $0x90000046  }
0xb1: {  	s29 =	simm.s32 $0x9;
	_ =	strace $0x80000048  }
0xb2: {  	_ =	swait.ge [sflag:s29], $0x1  }
0xb3: {  	[sflag:s29] =	ssyncadd.s32 $0xFFFFFFFF  }
0xb4: {  	_ =	strace $0x90000048  }
0xb5: {  	_ =	sfence  }
0xb6: {  	s30 =	sld [smem:$0x0];
	_ =	sdelay $0x2  }
0xb7: {  	s31 =	sshll.u32 s1, $0xD;
	s1 =	sshrl.u32 s1, $0x2  }
0xb8: {  	s3 =	sand.u32 $0x4000, s31;
	s1 =	sadd.s32 s1, s30  }
0xb9: {  	s0 =	sor.u32 s3, s0;
	s1 =	sshll.u32 s1, $0x11  }
0xba: {  	s0 =	sor.u32 s1, s0  }
0xbb: {  	s0 =	sadd.s32 $0x8F2B, s0  }
0xbc: {  	[sflag:s0] =	ssyncadd.remote.s32 $0x1  }
0xbd: {  	_ =	sfence.sel $0xFFFF  }
0xbe: {  	[dreg:$0x0] =	wrdreg $0xFFFFFFFF;
	(pc) =	sbr.abs _section_cstart, $3  }
0xbf: {  	[dreg:$0x1] =	wrdreg $0xFFFFFFFF  }
0xc0: {  	_ =	task.clear_ibuf [dreg:s6], $0x2FFFF;
	_ =	strace $0x9FFFFFFF  }
0xc1: {  	(tm) =	ssettm $0x7FFFFFFF  }
tec
execute0_lowered:
.L_overlay_start_1:
0x0: {  	(tag) =	ssettag $0x1  }
0x1: {  	s1 =	srdreg.scid;
	s0 =	stileid.u32  }
0x2: {  	s16 =	sand.u32 $0x1, s1;
	s29 =	sshll.u32 s0, $0x1  }
0x3: {  	s17 =	sor.u32 s16, s29  }
0x4: {  	s18 =	rddreg [dreg:$0x0];
	s3 =	smul.u32 $0x50, s17  }
0x5: {  	s2 =	simm.s32 $0x0;
	s1 =	rddreg [dreg:$0x1]  }
0x6: {  	[smem:$0x7FF] =	sst s2;
	s3 =	sadd.s32 s3, s18  }
0x7: {  	_ =	strace $0x80000047;
	s4 =	sadd.s32 $0xC00, s3;
	s3 =	simm.s32 $0x2  }
0x8: {  	[tilespmem:s2], [sflag:$0x2] =	stream.linear.gather [hbm4b:s4+s2], $0x280, $0x38;
	[tilespmem:$0xA280] =	vst v63  }
0x9: {  	_ =	swait.ge [sflag:s3], $0x280  }
0xa: {  	s6 =	simm.s32 $0x80;
	[sflag:s3] =	ssyncset.done $0x0  }
0xb: {  	s7 =	simm.s32 $0x280;
	s5 =	sadd.s32 $0x1600, s18;
	[sflag:s3] =	ssyncadd.s32 $0xFFFFFD80  }
0xc: {  	[tilespmem:s7], [sflag:$0x1] =	stream.indirect.gather [hbm4b:s5+s6], $0x40, s2, s6, $0xb8;
	[tilespmem:$0xA280] =	vst v63  }
0xd: {  	s8 =	simm.s32 $0x2280  }
0xe: {  	[tilespmem:s8], [sflag:$0x1] =	stream.indirect.gather [hbm4b:s5+s6], $0x40, s6, s6, $0xb8;
	[tilespmem:$0xA280] =	vst v63  }
0xf: {  	s9 =	simm.s32 $0x100;
	s10 =	simm.s32 $0x4280  }
0x10: {  	[tilespmem:s10], [sflag:$0x1] =	stream.indirect.gather [hbm4b:s5+s6], $0x40, s9, s6, $0xb8;
	[tilespmem:$0xA280] =	vst v63  }
0x11: {  	s11 =	simm.s32 $0x180;
	s12 =	simm.s32 $0x6280  }
0x12: {  	[tilespmem:s12], [sflag:$0x1] =	stream.indirect.gather [hbm4b:s5+s6], $0x40, s11, s6, $0xb8;
	[tilespmem:$0xA280] =	vst v63  }
0x13: {  	s13 =	simm.s32 $0x200;
	s14 =	simm.s32 $0x8280;
	s15 =	simm.s32 $0x1  }
0x14: {  	[tilespmem:s14], [sflag:$0x1] =	stream.indirect.gather [hbm4b:s5+s6], $0x40, s13, s6, $0xb8;
	[tilespmem:$0xA280] =	vst v63  }
0x15: {  	_ =	swait.ge [sflag:s15], $0x2000  }
0x16: {  	[sflag:s15] =	ssyncset.done $0x0  }
0x17: {  	[sflag:s15] =	ssyncadd.s32 $0xFFFFE000  }
0x18: {  	_ =	swait.ge [sflag:s15], $0x2000  }
0x19: {  	[sflag:s15] =	ssyncset.done $0x0  }
0x1a: {  	[sflag:s15] =	ssyncadd.s32 $0xFFFFE000  }
0x1b: {  	_ =	swait.ge [sflag:s15], $0x2000  }
0x1c: {  	[sflag:s15] =	ssyncset.done $0x0  }
0x1d: {  	s16 =	ssub.s32 $0x2, s16;
	[sflag:s15] =	ssyncadd.s32 $0xFFFFE000  }
0x1e: {  	s19 =	sshrl.u32 s16, $0x1;
	_ =	swait.ge [sflag:s15], $0x2000  }
0x1f: {  	s30 =	ssub.s32 s16, s19;
	[sflag:s15] =	ssyncset.done $0x0  }
0x20: {  	s17 =	smul.u32 $0x1400, s17;
	s31 =	smax.u32 s30, $0x1;
	[sflag:s15] =	ssyncadd.s32 $0xFFFFE000  }
0x21: {  	p0 =	sne.s32 s31, $0x1;
	_ =	swait.ge [sflag:s15], $0x2000  }
.Ltmp0:
0x22: {  	s17 =	sadd.s32 s17, s18;
	[sflag:s15] =	ssyncset.done $0x0;
	(pc) =	sbr.rel @!p0 .LBB2_2-.Ltmp0, $4  }
0x23: {  	s16 =	sadd.s32 $0xC4C00, s17;
	[sflag:s15] =	ssyncadd.s32 $0xFFFFE000  }
0x24: {  	[hbm4b:s16+s2] =	stream.linear.scatter [tilespmem:s7], [sflag:$0x2], $0xA000, $0x38;
	[tilespmem:$0xA280] =	vst v63  }
0x25: {  	_ =	swait.ge [sflag:s3], $0xA000  }
0x26: {  	s17 =	sadd.s32 $0xFFFFFFFF, s31;
	[sflag:s3] =	ssyncset.done $0x0  }
.LBB2_1:
0x27: {  	p0 =	sne.s32 s17, $0x1;
	s17 =	sadd.s32 $0xFFFFFFFF, s17;
	[sflag:s3] =	ssyncadd.s32 $0xFFFF6000  }
0x28: {  	[tilespmem:s2], [sflag:$0x2] =	stream.linear.gather [hbm4b:s4+s2], $0x280, $0x38;
	[tilespmem:$0xA280] =	vst v63  }
0x29: {  	_ =	swait.ge [sflag:s3], $0x280  }
0x2a: {  	[sflag:s3] =	ssyncset.done $0x0  }
0x2b: {  	[sflag:s3] =	ssyncadd.s32 $0xFFFFFD80  }
0x2c: {  	[tilespmem:s7], [sflag:$0x1] =	stream.indirect.gather [hbm4b:s5+s6], $0x40, s2, s6, $0xb8;
	[tilespmem:$0xA280] =	vst v63  }
0x2d: {  	_ = 	snop  }
0x2e: {  	[tilespmem:s8], [sflag:$0x1] =	stream.indirect.gather [hbm4b:s5+s6], $0x40, s6, s6, $0xb8;
	[tilespmem:$0xA280] =	vst v63  }
0x2f: {  	_ = 	snop  }
0x30: {  	[tilespmem:s10], [sflag:$0x1] =	stream.indirect.gather [hbm4b:s5+s6], $0x40, s9, s6, $0xb8;
	[tilespmem:$0xA280] =	vst v63  }
0x31: {  	_ = 	snop  }
0x32: {  	[tilespmem:s12], [sflag:$0x1] =	stream.indirect.gather [hbm4b:s5+s6], $0x40, s11, s6, $0xb8;
	[tilespmem:$0xA280] =	vst v63  }
0x33: {  	_ = 	snop  }
0x34: {  	[tilespmem:s14], [sflag:$0x1] =	stream.indirect.gather [hbm4b:s5+s6], $0x40, s13, s6, $0xb8;
	[tilespmem:$0xA280] =	vst v63  }
0x35: {  	_ =	swait.ge [sflag:s15], $0x2000  }
0x36: {  	[sflag:s15] =	ssyncset.done $0x0  }
0x37: {  	[sflag:s15] =	ssyncadd.s32 $0xFFFFE000  }
0x38: {  	_ =	swait.ge [sflag:s15], $0x2000  }
0x39: {  	[sflag:s15] =	ssyncset.done $0x0  }
0x3a: {  	[sflag:s15] =	ssyncadd.s32 $0xFFFFE000  }
0x3b: {  	_ =	swait.ge [sflag:s15], $0x2000  }
0x3c: {  	[sflag:s15] =	ssyncset.done $0x0  }
0x3d: {  	[sflag:s15] =	ssyncadd.s32 $0xFFFFE000  }
0x3e: {  	_ =	swait.ge [sflag:s15], $0x2000  }
0x3f: {  	[sflag:s15] =	ssyncset.done $0x0  }
0x40: {  	[sflag:s15] =	ssyncadd.s32 $0xFFFFE000  }
0x41: {  	_ =	swait.ge [sflag:s15], $0x2000  }
.Ltmp1:
0x42: {  	[sflag:s15] =	ssyncset.done $0x0;
	(pc) =	sbr.rel @p0 .LBB2_1-.Ltmp1, $4  }
0x43: {  	[sflag:s15] =	ssyncadd.s32 $0xFFFFE000  }
0x44: {  	[hbm4b:s16+s2] =	stream.linear.scatter [tilespmem:s7], [sflag:$0x2], $0xA000, $0x38;
	[tilespmem:$0xA280] =	vst v63  }
0x45: {  	_ =	swait.ge [sflag:s3], $0xA000  }
0x46: {  	[sflag:s3] =	ssyncset.done $0x0  }
.LBB2_2:
0x47: {  	[sflag:s3] =	ssyncadd.s32 $0xFFFF6000  }
0x48: {  	_ =	sfence.sel $0x180000  }
0x49: {  	[bflag:$0x0] =	sbarrier.arrive $0xFFFF  }
0x4a: {  	p0 =	sne.s32 s0, $0x0;
	_ =	strace $0x90000047  }
0x4b: {  	s0 =	sadd.s32 @!p0 $0x100000, s1;
	[bflag:$0x2] =	sbarrier.arrive $0xFFFF  }
0x4c: {  	[sflag:s0] =	ssyncadd.tile.s32 @!p0 $0x1;
	_ =	shalt  }
.Lfunc_end2:
_tile_overlayer_lowered:
.L_overlay_start_2:
0x4d: {  	(tag) =	ssettag $0x2  }
0x4e: {  	s0 =	rddreg [dreg:$0x0];
	s2 =	stileid.u32  }
0x4f: {  	s1 =	rddreg [dreg:$0x1];
	p0 =	sne.s32 s2, $0x0  }
0x50: {  	s3 =	rddreg [dreg:$0x2];
	[bflag:$0x3] =	sbarrier.arrive $0xFFFF;
	s2 =	simm.s32 @!p0 $0x1C02  }
0x51: {  	[timem:s3], [sflag:s2] =	dma.local @!p0 [hbm:s0], s1  }
0x52: {  	s0 =	simm.s32 @!p0 $0x2  }
0x53: {  	_ =	swait.ge @!p0 [sflag:s0], s1  }
0x54: {  	s1 =	ssub.s32 @!p0 $0x0, s1;
	[sflag:s0] =	ssyncset.done @!p0 $0x0  }
0x55: {  	[sflag:s0] =	ssyncadd.s32 @!p0 s1  }
0x56: {  	[bflag:$0x3] =	sbarrier.arrive $0xFFFF  }
0x57: {  	_ =	shalt  }

</sc_bundles>
